<compile_context>
chip_gen: v7x
topology: tpu7x:2x2x1
jax: 0.10.2.dev20260603
libtpu: 0.0.44.dev20260713+nightly
codegen_flags: <defaults>
</compile_context>

<pallas_src>
import functools

import jax
import jax.numpy as jnp
from jax import lax
from jax.experimental import pallas as pl
from jax.experimental.pallas import tpu as pltpu
from jax.experimental.pallas import tpu_sc as plsc

_N_ATOMS = 100000
_N_CENTER = 8192
_N_NEIGH = 8
_N_TYPES = 16
_NC = 2
_NS = 16
_NW = _NC * _NS
_CBLK = 1024


def _sc_gather(xf, yf, zf, tf, idx_j, idx_i):
    nj = idx_j.shape[0] // _NW
    ni = idx_i.shape[0] // _NW
    mesh = plsc.VectorSubcoreMesh(core_axis_name="c", subcore_axis_name="s")
    n_total = idx_j.shape[0]

    @functools.partial(
        pl.kernel,
        mesh=mesh,
        compiler_params=pltpu.CompilerParams(use_tc_tiling_on_sc=False),
        out_type=[
            jax.ShapeDtypeStruct((n_total,), jnp.float32),
            jax.ShapeDtypeStruct((n_total,), jnp.float32),
            jax.ShapeDtypeStruct((n_total,), jnp.float32),
            jax.ShapeDtypeStruct((n_total,), jnp.int32),
            jax.ShapeDtypeStruct((idx_i.shape[0],), jnp.int32),
        ],
        scratch_types=[
            pltpu.VMEM((nj,), jnp.int32),
            pltpu.VMEM((nj,), jnp.float32),
            pltpu.VMEM((nj,), jnp.float32),
            pltpu.VMEM((nj,), jnp.float32),
            pltpu.VMEM((nj,), jnp.int32),
            pltpu.VMEM((ni,), jnp.int32),
            pltpu.VMEM((ni,), jnp.int32),
            pltpu.SemaphoreType.DMA,
            pltpu.SemaphoreType.DMA,
        ],
    )
    def k(xf_hbm, yf_hbm, zf_hbm, tf_hbm, idxj_hbm, idxi_hbm,
          xg_hbm, yg_hbm, zg_hbm, tg_hbm, tig_hbm,
          idxj_v, xv, yv, zv, tv, idxi_v, tiv, sem, sem2):
        wid = lax.axis_index("s") * _NC + lax.axis_index("c")
        bj = wid * nj
        bi = wid * ni
        pltpu.sync_copy(idxj_hbm.at[pl.ds(bj, nj)], idxj_v)
        pltpu.sync_copy(idxi_hbm.at[pl.ds(bi, ni)], idxi_v)
        cx = pltpu.async_copy(xf_hbm.at[idxj_v], xv, sem)
        cy = pltpu.async_copy(yf_hbm.at[idxj_v], yv, sem)
        cz = pltpu.async_copy(zf_hbm.at[idxj_v], zv, sem)
        ct = pltpu.async_copy(tf_hbm.at[idxj_v], tv, sem)
        ci = pltpu.async_copy(tf_hbm.at[idxi_v], tiv, sem)
        cx.wait()
        ox = pltpu.async_copy(xv, xg_hbm.at[pl.ds(bj, nj)], sem2)
        cy.wait()
        oy = pltpu.async_copy(yv, yg_hbm.at[pl.ds(bj, nj)], sem2)
        cz.wait()
        oz = pltpu.async_copy(zv, zg_hbm.at[pl.ds(bj, nj)], sem2)
        ct.wait()
        ot = pltpu.async_copy(tv, tg_hbm.at[pl.ds(bj, nj)], sem2)
        ci.wait()
        oi = pltpu.async_copy(tiv, tig_hbm.at[pl.ds(bi, ni)], sem2)
        ox.wait()
        oy.wait()
        oz.wait()
        ot.wait()
        oi.wait()

    return k(xf, yf, zf, tf, idx_j, idx_i)


def _tc_body(xT_ref, yT_ref, zT_ref, dT_ref, tjT_ref, tiT_ref,
             w_ref, e_ref, b_ref, out_ref):
    nn = _N_NEIGH
    no = 64
    c = tjT_ref.shape[1] * 128
    xT = xT_ref[...].reshape(nn, c)
    yT = yT_ref[...].reshape(nn, c)
    zT = zT_ref[...].reshape(nn, c)
    dT = dT_ref[...]
    tji = tjT_ref[...].reshape(nn, c)
    tiT = tiT_ref[...].reshape(1, c)
    w = w_ref[...]
    e = e_ref[...]
    b = b_ref[...]

    ew1t = jnp.transpose(jnp.dot(e, w[3:19, :], preferred_element_type=jnp.float32))
    ew2t = jnp.transpose(jnp.dot(e, w[19:35, :], preferred_element_type=jnp.float32))
    ew3t = jnp.transpose(jnp.dot(e, w[35:51, :], preferred_element_type=jnp.float32))
    w0f = jnp.broadcast_to(jnp.transpose(w[0:1, :]), (no, c))
    w1f = jnp.broadcast_to(jnp.transpose(w[1:2, :]), (no, c))
    w2f = jnp.broadcast_to(jnp.transpose(w[2:3, :]), (no, c))
    bf = jnp.broadcast_to(jnp.transpose(b), (no, c))

    iota16 = lax.broadcasted_iota(jnp.int32, (_N_TYPES, c), 0)
    oh = [
        (jnp.broadcast_to(tji[n:n + 1, :], (_N_TYPES, c)) == iota16
         ).astype(jnp.float32)
        for n in range(nn)
    ]
    ohall = jnp.concatenate(oh, axis=1)
    m2t = jnp.dot(ew2t, ohall, preferred_element_type=jnp.float32)
    m3t = jnp.dot(ew3t, ohall, preferred_element_type=jnp.float32)
    ohi = (jnp.broadcast_to(tiT, (_N_TYPES, c)) == iota16
           ).astype(jnp.float32)
    cct = jnp.dot(ew1t, ohi, preferred_element_type=jnp.float32) + bf

    invt = 1.0 / dT
    s_j = []
    b_k = []
    for n in range(nn):
        dbc = jnp.broadcast_to(dT[n:n + 1, :], (no, c))
        ibc = jnp.broadcast_to(invt[n:n + 1, :], (no, c))
        m2n = m2t[:, n * c:(n + 1) * c]
        m3n = m3t[:, n * c:(n + 1) * c]
        s_j.append(cct + w0f * dbc + ibc * m2n)
        b_k.append(w1f * dbc + ibc * m3n)

    for j in range(nn):
        dx = xT[j:j + 1, :] - xT
        dy = yT[j:j + 1, :] - yT
        dz = zT[j:j + 1, :] - zT
        djk = jnp.sqrt(dx * dx + dy * dy + dz * dz)
        mx = jnp.maximum(dT[j:j + 1, :], dT)
        mn = jnp.minimum(dT[j:j + 1, :], dT)
        djkn = (djk - mx + mn) / (2.0 * mn)
        p = j * (nn - 1)
        for k in range(nn):
            if k == j:
                continue
            dbk = jnp.broadcast_to(djkn[k:k + 1, :], (no, c))
            out_ref[p, :, :] = s_j[j] + b_k[k] + w2f * dbk
            p += 1


def kernel(atoms_xyz, atom_type, atom_i_idx, atom_j_idx, dist_ij, embed_table, W, b):
    xf = atoms_xyz[:, 0].astype(jnp.float32)
    yf = atoms_xyz[:, 1].astype(jnp.float32)
    zf = atoms_xyz[:, 2].astype(jnp.float32)
    tf = atom_type.astype(jnp.int32)
    idx_j = jnp.transpose(atom_j_idx).reshape(-1).astype(jnp.int32)
    idx_i = atom_i_idx.reshape(-1).astype(jnp.int32)

    xg, yg, zg, tg, tig = _sc_gather(xf, yf, zf, tf, idx_j, idx_i)
    nb_all = _N_CENTER // 128
    nb = _CBLK // 128
    xT = xg.reshape(_N_NEIGH, nb_all, 128)
    yT = yg.reshape(_N_NEIGH, nb_all, 128)
    zT = zg.reshape(_N_NEIGH, nb_all, 128)
    tjT = tg.reshape(_N_NEIGH, nb_all, 128)
    tiT = tig.reshape(nb_all, 128)
    dT = jnp.transpose(dist_ij.astype(jnp.float32))
    b2 = b.astype(jnp.float32).reshape(1, 64)

    grid = _N_CENTER // _CBLK
    out_t = pl.pallas_call(
        _tc_body,
        grid=(grid,),
        compiler_params=pltpu.CompilerParams(
            vmem_limit_bytes=50 * 1024 * 1024),
        in_specs=[
            pl.BlockSpec((_N_NEIGH, nb, 128), lambda i: (0, i, 0)),
            pl.BlockSpec((_N_NEIGH, nb, 128), lambda i: (0, i, 0)),
            pl.BlockSpec((_N_NEIGH, nb, 128), lambda i: (0, i, 0)),
            pl.BlockSpec((_N_NEIGH, _CBLK), lambda i: (0, i)),
            pl.BlockSpec((_N_NEIGH, nb, 128), lambda i: (0, i, 0)),
            pl.BlockSpec((nb, 128), lambda i: (i, 0)),
            pl.BlockSpec((51, 64), lambda i: (0, 0)),
            pl.BlockSpec((16, 16), lambda i: (0, 0)),
            pl.BlockSpec((1, 64), lambda i: (0, 0)),
        ],
        out_specs=pl.BlockSpec((56, 64, _CBLK), lambda i: (0, 0, i)),
        out_shape=jax.ShapeDtypeStruct((56, 64, _N_CENTER), jnp.float32),
    )(xT, yT, zT, dT, tjT, tiT, W.astype(jnp.float32),
      embed_table.astype(jnp.float32), b2)
    return jnp.transpose(out_t, (2, 0, 1))

# --- scband reference (transcript-rebuilt; emitter-appended) ---
"""Pipeline reference for scband-angle-net-81827716923454 (READ-ONLY COPY).

The authoritative reference and input builder live on the scoring server;
editing this copy changes nothing except your own understanding.
"""

import jax, jax.numpy as jnp
import numpy as np

N_ATOMS = 100000
N_CENTER = 8192
N_NEIGH = 8
N_TYPES = 16
N_FEATURE = 16
N_OUT = 64


def setup_inputs(seed: int = 0):
    key = jax.random.key(seed)
    ks = jax.random.split(key, 8)
    atoms_xyz = jax.random.normal(ks[0], (N_ATOMS, 3), dtype=jnp.float32) * 10.0
    atom_type = jax.random.randint(ks[1], (N_ATOMS,), 0, N_TYPES)
    atom_i_idx = jax.random.randint(ks[2], (N_CENTER,), 0, N_ATOMS)
    atom_j_idx = jax.random.randint(ks[3], (N_CENTER, N_NEIGH), 0, N_ATOMS)
    dist_ij = jax.random.uniform(ks[4], (N_CENTER, N_NEIGH), dtype=jnp.float32) * 2.5 + 0.5
    embed_table = jax.random.normal(ks[5], (N_TYPES, N_FEATURE), dtype=jnp.float32) * 0.1
    n_in = 3 + 3 * N_FEATURE
    W = jax.random.normal(ks[6], (n_in, N_OUT), dtype=jnp.float32) / np.sqrt(n_in)
    b = jnp.zeros((N_OUT,), dtype=jnp.float32)
    return {"atoms_xyz": atoms_xyz, "atom_type": atom_type, "atom_i_idx": atom_i_idx,
            "atom_j_idx": atom_j_idx, "dist_ij": dist_ij, "embed_table": embed_table,
            "W": W, "b": b}


def _angle_descriptors(atoms_xyz, dist_ij, embed_table, atom_type, atom_i_idx, atom_j_idx):
    n_center, nNeigh = dist_ij.shape
    f = embed_table.shape[1]
    triple_j = atom_j_idx[:, :, None]
    triple_k = atom_j_idx[:, None, :]
    d_ij = jnp.broadcast_to(dist_ij[:, :, None], (n_center, nNeigh, nNeigh))
    d_ik = jnp.broadcast_to(dist_ij[:, None, :], (n_center, nNeigh, nNeigh))
    diff = atoms_xyz[triple_j] - atoms_xyz[triple_k]
    d_jk = jnp.linalg.norm(diff, axis=-1)
    maxD = jnp.maximum(d_ij, d_ik)
    minD = jnp.minimum(d_ij, d_ik)
    d_jk = (d_jk - maxD + minD) / (2.0 * minD)
    emb_i = jnp.take(embed_table, atom_type[atom_i_idx], axis=0)
    emb_j = jnp.take(embed_table, atom_type[atom_j_idx], axis=0)
    ei = jnp.broadcast_to(emb_i[:, None, None, :], (n_center, nNeigh, nNeigh, f))
    ej = jnp.broadcast_to(emb_j[:, :, None, :], (n_center, nNeigh, nNeigh, f))
    ek = jnp.broadcast_to(emb_j[:, None, :, :], (n_center, nNeigh, nNeigh, f))
    dij = d_ij[..., None]
    dik = d_ik[..., None]
    djk = d_jk[..., None]
    ang = jnp.concatenate([dij, dik, djk, ei, ej / dij, ek / dik], axis=-1)
    rows, cols = np.nonzero(~np.eye(nNeigh, dtype=bool))
    ang = ang[:, rows, cols, :]
    return ang


def reference(atoms_xyz, atom_type, atom_i_idx, atom_j_idx, dist_ij, embed_table, W, b):
    ang = _angle_descriptors(atoms_xyz, dist_ij, embed_table, atom_type, atom_i_idx, atom_j_idx)
    out = ang @ W + b
    return out

if __name__ == "__main__":
    import jax
    _d = setup_inputs()
    print(jax.jit(kernel)(*tuple(_d.values())))

</pallas_src>

<mosaic_0001>
#map = affine_map<(d0, d1) -> (0)>
module attributes {stable_mosaic.version = 14 : i64} {
  func.func @k(%arg0: i32, %arg1: i32, %arg2: memref<100000xf32, #tpu.memory_space<hbm>>, %arg3: memref<100000xf32, #tpu.memory_space<hbm>>, %arg4: memref<100000xf32, #tpu.memory_space<hbm>>, %arg5: memref<100000xi32, #tpu.memory_space<hbm>>, %arg6: memref<65536xi32, #tpu.memory_space<hbm>>, %arg7: memref<8192xi32, #tpu.memory_space<hbm>>, %arg8: memref<65536xf32, #tpu.memory_space<hbm>>, %arg9: memref<65536xf32, #tpu.memory_space<hbm>>, %arg10: memref<65536xf32, #tpu.memory_space<hbm>>, %arg11: memref<65536xi32, #tpu.memory_space<hbm>>, %arg12: memref<8192xi32, #tpu.memory_space<hbm>>, %arg13: memref<2048xi32, #tpu.memory_space<vmem>>, %arg14: memref<2048xf32, #tpu.memory_space<vmem>>, %arg15: memref<2048xf32, #tpu.memory_space<vmem>>, %arg16: memref<2048xf32, #tpu.memory_space<vmem>>, %arg17: memref<2048xi32, #tpu.memory_space<vmem>>, %arg18: memref<256xi32, #tpu.memory_space<vmem>>, %arg19: memref<256xi32, #tpu.memory_space<vmem>>, %arg20: memref<!tpu.dma_semaphore, #tpu.memory_space<semaphore_mem>>, %arg21: memref<!tpu.dma_semaphore, #tpu.memory_space<semaphore_mem>>) attributes {dimension_semantics = [#tpu.dimension_semantics<core_parallel>, #tpu.dimension_semantics<subcore_parallel>], iteration_bounds = array<i64: 2, 16>, scalar_prefetch = 0 : i64, scratch_operands = 9 : i64, tpu.core_type = #tpu.core_type<sc_vector_subcore>, window_params = [{transform_indices = #map}, {transform_indices = #map}, {transform_indices = #map}, {transform_indices = #map}, {transform_indices = #map}, {transform_indices = #map}, {transform_indices = #map}, {transform_indices = #map}, {transform_indices = #map}, {transform_indices = #map}, {transform_indices = #map}]} {
    %mul3A = arith.constant 2 : i32
    %mul3A_0 = arith.muli %arg1, %mul3A : i32
    %add3A = arith.addi %mul3A_0, %arg0 : i32
    %mul3A_1 = arith.constant 2048 : i32
    %mul3A_2 = arith.muli %add3A, %mul3A_1 : i32
    %mul3A_3 = arith.constant 256 : i32
    %mul3A_4 = arith.muli %add3A, %mul3A_3 : i32
    "tpu.region"() ({
      %run_scoped3A = tpu.sem_alloc : memref<!tpu.dma_semaphore, #tpu.memory_space<semaphore_mem>>
      %dma_start3A_43 = tpu.memref_slice %arg6[%mul3A_2] : memref<65536xi32, #tpu.memory_space<hbm>> -> memref<2048xi32, #tpu.memory_space<hbm>>
      %dma_start3A_44 = tpu.memref_slice %arg6[%mul3A_2] : memref<65536xi32, #tpu.memory_space<hbm>> -> memref<2048xi32, #tpu.memory_space<hbm>>
      tpu.enqueue_dma source(%dma_start3A_44 : memref<2048xi32, #tpu.memory_space<hbm>>) target(%arg13 : memref<2048xi32, #tpu.memory_space<vmem>>) target_semaphore(%run_scoped3A : memref<!tpu.dma_semaphore, #tpu.memory_space<semaphore_mem>>)
      %dma_wait3A_45 = tpu.memref_slice %arg6[%mul3A_2] : memref<65536xi32, #tpu.memory_space<hbm>> -> memref<2048xi32, #tpu.memory_space<hbm>>
      %dma_wait3A_46 = tpu.memref_slice %arg6[%mul3A_2] : memref<65536xi32, #tpu.memory_space<hbm>> -> memref<2048xi32, #tpu.memory_space<hbm>>
      tpu.wait_dma2 semaphore(%run_scoped3A : memref<!tpu.dma_semaphore, #tpu.memory_space<semaphore_mem>>) src(%dma_wait3A_46 : memref<2048xi32, #tpu.memory_space<hbm>>) dst(%arg13 : memref<2048xi32, #tpu.memory_space<vmem>>)
      tpu.yield
    }) : () -> ()
    "tpu.region"() ({
      %run_scoped3A = tpu.sem_alloc : memref<!tpu.dma_semaphore, #tpu.memory_space<semaphore_mem>>
      %dma_start3A_43 = tpu.memref_slice %arg7[%mul3A_4] : memref<8192xi32, #tpu.memory_space<hbm>> -> memref<256xi32, #tpu.memory_space<hbm>>
      %dma_start3A_44 = tpu.memref_slice %arg7[%mul3A_4] : memref<8192xi32, #tpu.memory_space<hbm>> -> memref<256xi32, #tpu.memory_space<hbm>>
      tpu.enqueue_dma source(%dma_start3A_44 : memref<256xi32, #tpu.memory_space<hbm>>) target(%arg18 : memref<256xi32, #tpu.memory_space<vmem>>) target_semaphore(%run_scoped3A : memref<!tpu.dma_semaphore, #tpu.memory_space<semaphore_mem>>)
      %dma_wait3A_45 = tpu.memref_slice %arg7[%mul3A_4] : memref<8192xi32, #tpu.memory_space<hbm>> -> memref<256xi32, #tpu.memory_space<hbm>>
      %dma_wait3A_46 = tpu.memref_slice %arg7[%mul3A_4] : memref<8192xi32, #tpu.memory_space<hbm>> -> memref<256xi32, #tpu.memory_space<hbm>>
      tpu.wait_dma2 semaphore(%run_scoped3A : memref<!tpu.dma_semaphore, #tpu.memory_space<semaphore_mem>>) src(%dma_wait3A_46 : memref<256xi32, #tpu.memory_space<hbm>>) dst(%arg18 : memref<256xi32, #tpu.memory_space<vmem>>)
      tpu.yield
    }) : () -> ()
    %dma_start3A = arith.constant 0 : i32
    %dma_start3A_5 = tpu.memref_slice %arg2[%dma_start3A] : memref<100000xf32, #tpu.memory_space<hbm>> -> memref<100000xf32, #tpu.memory_space<hbm>>
    tpu.enqueue_indirect_dma source(%dma_start3A_5 : memref<100000xf32, #tpu.memory_space<hbm>>) target(%arg14 : memref<2048xf32, #tpu.memory_space<vmem>>) offsets(%arg13 : memref<2048xi32, #tpu.memory_space<vmem>>) semaphore(%arg20 : memref<!tpu.dma_semaphore, #tpu.memory_space<semaphore_mem>>)
    %dma_start3A_6 = arith.constant 0 : i32
    %dma_start3A_7 = tpu.memref_slice %arg3[%dma_start3A_6] : memref<100000xf32, #tpu.memory_space<hbm>> -> memref<100000xf32, #tpu.memory_space<hbm>>
    tpu.enqueue_indirect_dma source(%dma_start3A_7 : memref<100000xf32, #tpu.memory_space<hbm>>) target(%arg15 : memref<2048xf32, #tpu.memory_space<vmem>>) offsets(%arg13 : memref<2048xi32, #tpu.memory_space<vmem>>) semaphore(%arg20 : memref<!tpu.dma_semaphore, #tpu.memory_space<semaphore_mem>>)
    %dma_start3A_8 = arith.constant 0 : i32
    %dma_start3A_9 = tpu.memref_slice %arg4[%dma_start3A_8] : memref<100000xf32, #tpu.memory_space<hbm>> -> memref<100000xf32, #tpu.memory_space<hbm>>
    tpu.enqueue_indirect_dma source(%dma_start3A_9 : memref<100000xf32, #tpu.memory_space<hbm>>) target(%arg16 : memref<2048xf32, #tpu.memory_space<vmem>>) offsets(%arg13 : memref<2048xi32, #tpu.memory_space<vmem>>) semaphore(%arg20 : memref<!tpu.dma_semaphore, #tpu.memory_space<semaphore_mem>>)
    %dma_start3A_10 = arith.constant 0 : i32
    %dma_start3A_11 = tpu.memref_slice %arg5[%dma_start3A_10] : memref<100000xi32, #tpu.memory_space<hbm>> -> memref<100000xi32, #tpu.memory_space<hbm>>
    tpu.enqueue_indirect_dma source(%dma_start3A_11 : memref<100000xi32, #tpu.memory_space<hbm>>) target(%arg17 : memref<2048xi32, #tpu.memory_space<vmem>>) offsets(%arg13 : memref<2048xi32, #tpu.memory_space<vmem>>) semaphore(%arg20 : memref<!tpu.dma_semaphore, #tpu.memory_space<semaphore_mem>>)
    %dma_start3A_12 = arith.constant 0 : i32
    %dma_start3A_13 = tpu.memref_slice %arg5[%dma_start3A_12] : memref<100000xi32, #tpu.memory_space<hbm>> -> memref<100000xi32, #tpu.memory_space<hbm>>
    tpu.enqueue_indirect_dma source(%dma_start3A_13 : memref<100000xi32, #tpu.memory_space<hbm>>) target(%arg19 : memref<256xi32, #tpu.memory_space<vmem>>) offsets(%arg18 : memref<256xi32, #tpu.memory_space<vmem>>) semaphore(%arg20 : memref<!tpu.dma_semaphore, #tpu.memory_space<semaphore_mem>>)
    %dma_wait3A = arith.constant 0 : i32
    %dma_wait3A_14 = tpu.memref_slice %arg2[%dma_wait3A] : memref<100000xf32, #tpu.memory_space<hbm>> -> memref<100000xf32, #tpu.memory_space<hbm>>
    tpu.wait_indirect_dma semaphore(%arg20 : memref<!tpu.dma_semaphore, #tpu.memory_space<semaphore_mem>>) src(%dma_wait3A_14 : memref<100000xf32, #tpu.memory_space<hbm>>) dst(%arg14 : memref<2048xf32, #tpu.memory_space<vmem>>)
    %dma_start3A_15 = tpu.memref_slice %arg8[%mul3A_2] : memref<65536xf32, #tpu.memory_space<hbm>> -> memref<2048xf32, #tpu.memory_space<hbm>>
    %dma_start3A_16 = tpu.memref_slice %arg8[%mul3A_2] : memref<65536xf32, #tpu.memory_space<hbm>> -> memref<2048xf32, #tpu.memory_space<hbm>>
    tpu.enqueue_dma source(%arg14 : memref<2048xf32, #tpu.memory_space<vmem>>) target(%dma_start3A_16 : memref<2048xf32, #tpu.memory_space<hbm>>) target_semaphore(%arg21 : memref<!tpu.dma_semaphore, #tpu.memory_space<semaphore_mem>>)
    %dma_wait3A_17 = arith.constant 0 : i32
    %dma_wait3A_18 = tpu.memref_slice %arg3[%dma_wait3A_17] : memref<100000xf32, #tpu.memory_space<hbm>> -> memref<100000xf32, #tpu.memory_space<hbm>>
    tpu.wait_indirect_dma semaphore(%arg20 : memref<!tpu.dma_semaphore, #tpu.memory_space<semaphore_mem>>) src(%dma_wait3A_18 : memref<100000xf32, #tpu.memory_space<hbm>>) dst(%arg15 : memref<2048xf32, #tpu.memory_space<vmem>>)
    %dma_start3A_19 = tpu.memref_slice %arg9[%mul3A_2] : memref<65536xf32, #tpu.memory_space<hbm>> -> memref<2048xf32, #tpu.memory_space<hbm>>
    %dma_start3A_20 = tpu.memref_slice %arg9[%mul3A_2] : memref<65536xf32, #tpu.memory_space<hbm>> -> memref<2048xf32, #tpu.memory_space<hbm>>
    tpu.enqueue_dma source(%arg15 : memref<2048xf32, #tpu.memory_space<vmem>>) target(%dma_start3A_20 : memref<2048xf32, #tpu.memory_space<hbm>>) target_semaphore(%arg21 : memref<!tpu.dma_semaphore, #tpu.memory_space<semaphore_mem>>)
    %dma_wait3A_21 = arith.constant 0 : i32
    %dma_wait3A_22 = tpu.memref_slice %arg4[%dma_wait3A_21] : memref<100000xf32, #tpu.memory_space<hbm>> -> memref<100000xf32, #tpu.memory_space<hbm>>
    tpu.wait_indirect_dma semaphore(%arg20 : memref<!tpu.dma_semaphore, #tpu.memory_space<semaphore_mem>>) src(%dma_wait3A_22 : memref<100000xf32, #tpu.memory_space<hbm>>) dst(%arg16 : memref<2048xf32, #tpu.memory_space<vmem>>)
    %dma_start3A_23 = tpu.memref_slice %arg10[%mul3A_2] : memref<65536xf32, #tpu.memory_space<hbm>> -> memref<2048xf32, #tpu.memory_space<hbm>>
    %dma_start3A_24 = tpu.memref_slice %arg10[%mul3A_2] : memref<65536xf32, #tpu.memory_space<hbm>> -> memref<2048xf32, #tpu.memory_space<hbm>>
    tpu.enqueue_dma source(%arg16 : memref<2048xf32, #tpu.memory_space<vmem>>) target(%dma_start3A_24 : memref<2048xf32, #tpu.memory_space<hbm>>) target_semaphore(%arg21 : memref<!tpu.dma_semaphore, #tpu.memory_space<semaphore_mem>>)
    %dma_wait3A_25 = arith.constant 0 : i32
    %dma_wait3A_26 = tpu.memref_slice %arg5[%dma_wait3A_25] : memref<100000xi32, #tpu.memory_space<hbm>> -> memref<100000xi32, #tpu.memory_space<hbm>>
    tpu.wait_indirect_dma semaphore(%arg20 : memref<!tpu.dma_semaphore, #tpu.memory_space<semaphore_mem>>) src(%dma_wait3A_26 : memref<100000xi32, #tpu.memory_space<hbm>>) dst(%arg17 : memref<2048xi32, #tpu.memory_space<vmem>>)
    %dma_start3A_27 = tpu.memref_slice %arg11[%mul3A_2] : memref<65536xi32, #tpu.memory_space<hbm>> -> memref<2048xi32, #tpu.memory_space<hbm>>
    %dma_start3A_28 = tpu.memref_slice %arg11[%mul3A_2] : memref<65536xi32, #tpu.memory_space<hbm>> -> memref<2048xi32, #tpu.memory_space<hbm>>
    tpu.enqueue_dma source(%arg17 : memref<2048xi32, #tpu.memory_space<vmem>>) target(%dma_start3A_28 : memref<2048xi32, #tpu.memory_space<hbm>>) target_semaphore(%arg21 : memref<!tpu.dma_semaphore, #tpu.memory_space<semaphore_mem>>)
    %dma_wait3A_29 = arith.constant 0 : i32
    %dma_wait3A_30 = tpu.memref_slice %arg5[%dma_wait3A_29] : memref<100000xi32, #tpu.memory_space<hbm>> -> memref<100000xi32, #tpu.memory_space<hbm>>
    tpu.wait_indirect_dma semaphore(%arg20 : memref<!tpu.dma_semaphore, #tpu.memory_space<semaphore_mem>>) src(%dma_wait3A_30 : memref<100000xi32, #tpu.memory_space<hbm>>) dst(%arg19 : memref<256xi32, #tpu.memory_space<vmem>>)
    %dma_start3A_31 = tpu.memref_slice %arg12[%mul3A_4] : memref<8192xi32, #tpu.memory_space<hbm>> -> memref<256xi32, #tpu.memory_space<hbm>>
    %dma_start3A_32 = tpu.memref_slice %arg12[%mul3A_4] : memref<8192xi32, #tpu.memory_space<hbm>> -> memref<256xi32, #tpu.memory_space<hbm>>
    tpu.enqueue_dma source(%arg19 : memref<256xi32, #tpu.memory_space<vmem>>) target(%dma_start3A_32 : memref<256xi32, #tpu.memory_space<hbm>>) target_semaphore(%arg21 : memref<!tpu.dma_semaphore, #tpu.memory_space<semaphore_mem>>)
    %dma_wait3A_33 = tpu.memref_slice %arg8[%mul3A_2] : memref<65536xf32, #tpu.memory_space<hbm>> -> memref<2048xf32, #tpu.memory_space<hbm>>
    %dma_wait3A_34 = tpu.memref_slice %arg8[%mul3A_2] : memref<65536xf32, #tpu.memory_space<hbm>> -> memref<2048xf32, #tpu.memory_space<hbm>>
    tpu.wait_dma2 semaphore(%arg21 : memref<!tpu.dma_semaphore, #tpu.memory_space<semaphore_mem>>) src(%arg14 : memref<2048xf32, #tpu.memory_space<vmem>>) dst(%dma_wait3A_34 : memref<2048xf32, #tpu.memory_space<hbm>>)
    %dma_wait3A_35 = tpu.memref_slice %arg9[%mul3A_2] : memref<65536xf32, #tpu.memory_space<hbm>> -> memref<2048xf32, #tpu.memory_space<hbm>>
    %dma_wait3A_36 = tpu.memref_slice %arg9[%mul3A_2] : memref<65536xf32, #tpu.memory_space<hbm>> -> memref<2048xf32, #tpu.memory_space<hbm>>
    tpu.wait_dma2 semaphore(%arg21 : memref<!tpu.dma_semaphore, #tpu.memory_space<semaphore_mem>>) src(%arg15 : memref<2048xf32, #tpu.memory_space<vmem>>) dst(%dma_wait3A_36 : memref<2048xf32, #tpu.memory_space<hbm>>)
    %dma_wait3A_37 = tpu.memref_slice %arg10[%mul3A_2] : memref<65536xf32, #tpu.memory_space<hbm>> -> memref<2048xf32, #tpu.memory_space<hbm>>
    %dma_wait3A_38 = tpu.memref_slice %arg10[%mul3A_2] : memref<65536xf32, #tpu.memory_space<hbm>> -> memref<2048xf32, #tpu.memory_space<hbm>>
    tpu.wait_dma2 semaphore(%arg21 : memref<!tpu.dma_semaphore, #tpu.memory_space<semaphore_mem>>) src(%arg16 : memref<2048xf32, #tpu.memory_space<vmem>>) dst(%dma_wait3A_38 : memref<2048xf32, #tpu.memory_space<hbm>>)
    %dma_wait3A_39 = tpu.memref_slice %arg11[%mul3A_2] : memref<65536xi32, #tpu.memory_space<hbm>> -> memref<2048xi32, #tpu.memory_space<hbm>>
    %dma_wait3A_40 = tpu.memref_slice %arg11[%mul3A_2] : memref<65536xi32, #tpu.memory_space<hbm>> -> memref<2048xi32, #tpu.memory_space<hbm>>
    tpu.wait_dma2 semaphore(%arg21 : memref<!tpu.dma_semaphore, #tpu.memory_space<semaphore_mem>>) src(%arg17 : memref<2048xi32, #tpu.memory_space<vmem>>) dst(%dma_wait3A_40 : memref<2048xi32, #tpu.memory_space<hbm>>)
    %dma_wait3A_41 = tpu.memref_slice %arg12[%mul3A_4] : memref<8192xi32, #tpu.memory_space<hbm>> -> memref<256xi32, #tpu.memory_space<hbm>>
    %dma_wait3A_42 = tpu.memref_slice %arg12[%mul3A_4] : memref<8192xi32, #tpu.memory_space<hbm>> -> memref<256xi32, #tpu.memory_space<hbm>>
    tpu.wait_dma2 semaphore(%arg21 : memref<!tpu.dma_semaphore, #tpu.memory_space<semaphore_mem>>) src(%arg19 : memref<256xi32, #tpu.memory_space<vmem>>) dst(%dma_wait3A_42 : memref<256xi32, #tpu.memory_space<hbm>>)
    return
  }
}

module attributes {stable_mosaic.version = 14 : i64} {
  func.func @_tc_body(%arg0: i32, %arg1: memref<8x8x128xf32, #tpu.memory_space<vmem>>, %arg2: memref<8x8x128xf32, #tpu.memory_space<vmem>>, %arg3: memref<8x8x128xf32, #tpu.memory_space<vmem>>, %arg4: memref<8x1024xf32, #tpu.memory_space<vmem>>, %arg5: memref<8x8x128xi32, #tpu.memory_space<vmem>>, %arg6: memref<8x128xi32, #tpu.memory_space<vmem>>, %arg7: memref<51x64xf32, #tpu.memory_space<vmem>>, %arg8: memref<16x16xf32, #tpu.memory_space<vmem>>, %arg9: memref<1x64xf32, #tpu.memory_space<vmem>>, %arg10: memref<56x64x1024xf32, #tpu.memory_space<vmem>>) attributes {dimension_semantics = [#tpu.dimension_semantics<arbitrary>], iteration_bounds = array<i64: 8>, scalar_prefetch = 0 : i64, scratch_operands = 0 : i64, tpu.core_type = #tpu.core_type<tc>, window_params = [{transform_indices = @transform_0, window_bounds = array<i64: 8, 8, 128>}, {transform_indices = @transform_1, window_bounds = array<i64: 8, 8, 128>}, {transform_indices = @transform_2, window_bounds = array<i64: 8, 8, 128>}, {transform_indices = @transform_3, window_bounds = array<i64: 8, 1024>}, {transform_indices = @transform_4, window_bounds = array<i64: 8, 8, 128>}, {transform_indices = @transform_5, window_bounds = array<i64: 8, 128>}, {pipeline_mode = #tpu.pipeline_mode<synchronous>, transform_indices = @transform_6, window_bounds = array<i64: 51, 64>}, {pipeline_mode = #tpu.pipeline_mode<synchronous>, transform_indices = @transform_7, window_bounds = array<i64: 16, 16>}, {pipeline_mode = #tpu.pipeline_mode<synchronous>, transform_indices = @transform_8, window_bounds = array<i64: 1, 64>}, {transform_indices = @transform_9, window_bounds = array<i64: 56, 64, 1024>}]} {
    %get3A = arith.constant 0 : index
    %get3A_0 = arith.constant 0 : index
    %get3A_1 = arith.constant 0 : index
    %get3A_2 = vector.load %arg1[%get3A, %get3A_0, %get3A_1] : memref<8x8x128xf32, #tpu.memory_space<vmem>>, vector<8x8x128xf32>
    %reshape3A = vector.shape_cast %get3A_2 : vector<8x8x128xf32> to vector<8x1024xf32>
    %get3A_3 = arith.constant 0 : index
    %get3A_4 = arith.constant 0 : index
    %get3A_5 = arith.constant 0 : index
    %get3A_6 = vector.load %arg2[%get3A_3, %get3A_4, %get3A_5] : memref<8x8x128xf32, #tpu.memory_space<vmem>>, vector<8x8x128xf32>
    %reshape3A_7 = vector.shape_cast %get3A_6 : vector<8x8x128xf32> to vector<8x1024xf32>
    %get3A_8 = arith.constant 0 : index
    %get3A_9 = arith.constant 0 : index
    %get3A_10 = arith.constant 0 : index
    %get3A_11 = vector.load %arg3[%get3A_8, %get3A_9, %get3A_10] : memref<8x8x128xf32, #tpu.memory_space<vmem>>, vector<8x8x128xf32>
    %reshape3A_12 = vector.shape_cast %get3A_11 : vector<8x8x128xf32> to vector<8x1024xf32>
    %get3A_13 = arith.constant 0 : index
    %get3A_14 = arith.constant 0 : index
    %get3A_15 = vector.load %arg4[%get3A_13, %get3A_14] : memref<8x1024xf32, #tpu.memory_space<vmem>>, vector<8x1024xf32>
    %get3A_16 = arith.constant 0 : index
    %get3A_17 = arith.constant 0 : index
    %get3A_18 = arith.constant 0 : index
    %get3A_19 = vector.load %arg5[%get3A_16, %get3A_17, %get3A_18] : memref<8x8x128xi32, #tpu.memory_space<vmem>>, vector<8x8x128xi32>
    %reshape3A_20 = vector.shape_cast %get3A_19 : vector<8x8x128xi32> to vector<8x1024xi32>
    %get3A_21 = arith.constant 0 : index
    %get3A_22 = arith.constant 0 : index
    %get3A_23 = vector.load %arg6[%get3A_21, %get3A_22] : memref<8x128xi32, #tpu.memory_space<vmem>>, vector<8x128xi32>
    %reshape3A_24 = vector.shape_cast %get3A_23 : vector<8x128xi32> to vector<1x1024xi32>
    %get3A_25 = arith.constant 0 : index
    %get3A_26 = arith.constant 0 : index
    %get3A_27 = vector.load %arg7[%get3A_25, %get3A_26] : memref<51x64xf32, #tpu.memory_space<vmem>>, vector<51x64xf32>
    %get3A_28 = arith.constant 0 : index
    %get3A_29 = arith.constant 0 : index
    %get3A_30 = vector.load %arg8[%get3A_28, %get3A_29] : memref<16x16xf32, #tpu.memory_space<vmem>>, vector<16x16xf32>
    %get3A_31 = arith.constant 0 : index
    %get3A_32 = arith.constant 0 : index
    %get3A_33 = vector.load %arg9[%get3A_31, %get3A_32] : memref<1x64xf32, #tpu.memory_space<vmem>>, vector<1x64xf32>
    %slice3A = vector.extract_strided_slice %get3A_27 {offsets = [3, 0], sizes = [16, 64], strides = [1, 1]} : vector<51x64xf32> to vector<16x64xf32>
    %dot_general3A = arith.constant dense<0.000000e+00> : vector<16x64xf32>
    %dot_general3A_34 = tpu.matmul %get3A_30, %slice3A, %dot_general3A {dimension_numbers = #tpu.dot_dimension_numbers<[1], [0], [0], [1], [0, 0, 1, 1], [], []>, transpose_lhs_hint = false} : vector<16x16xf32>, vector<16x64xf32>, vector<16x64xf32> -> vector<16x64xf32>
    %transpose3A = tpu.transpose %dot_general3A_34, [1, 0] : vector<16x64xf32> -> vector<64x16xf32>
    %slice3A_35 = vector.extract_strided_slice %get3A_27 {offsets = [19, 0], sizes = [16, 64], strides = [1, 1]} : vector<51x64xf32> to vector<16x64xf32>
    %dot_general3A_36 = arith.constant dense<0.000000e+00> : vector<16x64xf32>
    %dot_general3A_37 = tpu.matmul %get3A_30, %slice3A_35, %dot_general3A_36 {dimension_numbers = #tpu.dot_dimension_numbers<[1], [0], [0], [1], [0, 0, 1, 1], [], []>, transpose_lhs_hint = false} : vector<16x16xf32>, vector<16x64xf32>, vector<16x64xf32> -> vector<16x64xf32>
    %transpose3A_38 = tpu.transpose %dot_general3A_37, [1, 0] : vector<16x64xf32> -> vector<64x16xf32>
    %slice3A_39 = vector.extract_strided_slice %get3A_27 {offsets = [35, 0], sizes = [16, 64], strides = [1, 1]} : vector<51x64xf32> to vector<16x64xf32>
    %dot_general3A_40 = arith.constant dense<0.000000e+00> : vector<16x64xf32>
    %dot_general3A_41 = tpu.matmul %get3A_30, %slice3A_39, %dot_general3A_40 {dimension_numbers = #tpu.dot_dimension_numbers<[1], [0], [0], [1], [0, 0, 1, 1], [], []>, transpose_lhs_hint = false} : vector<16x16xf32>, vector<16x64xf32>, vector<16x64xf32> -> vector<16x64xf32>
    %transpose3A_42 = tpu.transpose %dot_general3A_41, [1, 0] : vector<16x64xf32> -> vector<64x16xf32>
    %slice3A_43 = vector.extract_strided_slice %get3A_27 {offsets = [0, 0], sizes = [1, 64], strides = [1, 1]} : vector<51x64xf32> to vector<1x64xf32>
    %transpose3A_44 = tpu.transpose %slice3A_43, [1, 0] : vector<1x64xf32> -> vector<64x1xf32>
    %broadcast_in_dim3A = vector.shape_cast %transpose3A_44 : vector<64x1xf32> to vector<64x1xf32>
    %broadcast_in_dim3A_45 = vector.broadcast %broadcast_in_dim3A : vector<64x1xf32> to vector<64x1024xf32>
    %slice3A_46 = vector.extract_strided_slice %get3A_27 {offsets = [1, 0], sizes = [1, 64], strides = [1, 1]} : vector<51x64xf32> to vector<1x64xf32>
    %transpose3A_47 = tpu.transpose %slice3A_46, [1, 0] : vector<1x64xf32> -> vector<64x1xf32>
    %broadcast_in_dim3A_48 = vector.shape_cast %transpose3A_47 : vector<64x1xf32> to vector<64x1xf32>
    %broadcast_in_dim3A_49 = vector.broadcast %broadcast_in_dim3A_48 : vector<64x1xf32> to vector<64x1024xf32>
    %slice3A_50 = vector.extract_strided_slice %get3A_27 {offsets = [2, 0], sizes = [1, 64], strides = [1, 1]} : vector<51x64xf32> to vector<1x64xf32>
    %transpose3A_51 = tpu.transpose %slice3A_50, [1, 0] : vector<1x64xf32> -> vector<64x1xf32>
    %broadcast_in_dim3A_52 = vector.shape_cast %transpose3A_51 : vector<64x1xf32> to vector<64x1xf32>
    %broadcast_in_dim3A_53 = vector.broadcast %broadcast_in_dim3A_52 : vector<64x1xf32> to vector<64x1024xf32>
    %transpose3A_54 = tpu.transpose %get3A_33, [1, 0] : vector<1x64xf32> -> vector<64x1xf32>
    %broadcast_in_dim3A_55 = vector.shape_cast %transpose3A_54 : vector<64x1xf32> to vector<64x1xf32>
    %broadcast_in_dim3A_56 = vector.broadcast %broadcast_in_dim3A_55 : vector<64x1xf32> to vector<64x1024xf32>
    %iota3A = tpu.iota {dimensions = array<i32: 0>} : vector<16x1024xi32>
    %slice3A_57 = vector.extract_strided_slice %reshape3A_20 {offsets = [0, 0], sizes = [1, 1024], strides = [1, 1]} : vector<8x1024xi32> to vector<1x1024xi32>
    %broadcast_in_dim3A_58 = vector.shape_cast %slice3A_57 : vector<1x1024xi32> to vector<1x1024xi32>
    %broadcast_in_dim3A_59 = vector.broadcast %broadcast_in_dim3A_58 : vector<1x1024xi32> to vector<16x1024xi32>
    %eq3A = arith.cmpi eq, %broadcast_in_dim3A_59, %iota3A : vector<16x1024xi32>
    %convert_element_type3A = arith.extui %eq3A : vector<16x1024xi1> to vector<16x1024xi32>
    %convert_element_type3A_60 = arith.sitofp %convert_element_type3A : vector<16x1024xi32> to vector<16x1024xf32>
    %slice3A_61 = vector.extract_strided_slice %reshape3A_20 {offsets = [1, 0], sizes = [1, 1024], strides = [1, 1]} : vector<8x1024xi32> to vector<1x1024xi32>
    %broadcast_in_dim3A_62 = vector.shape_cast %slice3A_61 : vector<1x1024xi32> to vector<1x1024xi32>
    %broadcast_in_dim3A_63 = vector.broadcast %broadcast_in_dim3A_62 : vector<1x1024xi32> to vector<16x1024xi32>
    %eq3A_64 = arith.cmpi eq, %broadcast_in_dim3A_63, %iota3A : vector<16x1024xi32>
    %convert_element_type3A_65 = arith.extui %eq3A_64 : vector<16x1024xi1> to vector<16x1024xi32>
    %convert_element_type3A_66 = arith.sitofp %convert_element_type3A_65 : vector<16x1024xi32> to vector<16x1024xf32>
    %slice3A_67 = vector.extract_strided_slice %reshape3A_20 {offsets = [2, 0], sizes = [1, 1024], strides = [1, 1]} : vector<8x1024xi32> to vector<1x1024xi32>
    %broadcast_in_dim3A_68 = vector.shape_cast %slice3A_67 : vector<1x1024xi32> to vector<1x1024xi32>
    %broadcast_in_dim3A_69 = vector.broadcast %broadcast_in_dim3A_68 : vector<1x1024xi32> to vector<16x1024xi32>
    %eq3A_70 = arith.cmpi eq, %broadcast_in_dim3A_69, %iota3A : vector<16x1024xi32>
    %convert_element_type3A_71 = arith.extui %eq3A_70 : vector<16x1024xi1> to vector<16x1024xi32>
    %convert_element_type3A_72 = arith.sitofp %convert_element_type3A_71 : vector<16x1024xi32> to vector<16x1024xf32>
    %slice3A_73 = vector.extract_strided_slice %reshape3A_20 {offsets = [3, 0], sizes = [1, 1024], strides = [1, 1]} : vector<8x1024xi32> to vector<1x1024xi32>
    %broadcast_in_dim3A_74 = vector.shape_cast %slice3A_73 : vector<1x1024xi32> to vector<1x1024xi32>
    %broadcast_in_dim3A_75 = vector.broadcast %broadcast_in_dim3A_74 : vector<1x1024xi32> to vector<16x1024xi32>
    %eq3A_76 = arith.cmpi eq, %broadcast_in_dim3A_75, %iota3A : vector<16x1024xi32>
    %convert_element_type3A_77 = arith.extui %eq3A_76 : vector<16x1024xi1> to vector<16x1024xi32>
    %convert_element_type3A_78 = arith.sitofp %convert_element_type3A_77 : vector<16x1024xi32> to vector<16x1024xf32>
    %slice3A_79 = vector.extract_strided_slice %reshape3A_20 {offsets = [4, 0], sizes = [1, 1024], strides = [1, 1]} : vector<8x1024xi32> to vector<1x1024xi32>
    %broadcast_in_dim3A_80 = vector.shape_cast %slice3A_79 : vector<1x1024xi32> to vector<1x1024xi32>
    %broadcast_in_dim3A_81 = vector.broadcast %broadcast_in_dim3A_80 : vector<1x1024xi32> to vector<16x1024xi32>
    %eq3A_82 = arith.cmpi eq, %broadcast_in_dim3A_81, %iota3A : vector<16x1024xi32>
    %convert_element_type3A_83 = arith.extui %eq3A_82 : vector<16x1024xi1> to vector<16x1024xi32>
    %convert_element_type3A_84 = arith.sitofp %convert_element_type3A_83 : vector<16x1024xi32> to vector<16x1024xf32>
    %slice3A_85 = vector.extract_strided_slice %reshape3A_20 {offsets = [5, 0], sizes = [1, 1024], strides = [1, 1]} : vector<8x1024xi32> to vector<1x1024xi32>
    %broadcast_in_dim3A_86 = vector.shape_cast %slice3A_85 : vector<1x1024xi32> to vector<1x1024xi32>
    %broadcast_in_dim3A_87 = vector.broadcast %broadcast_in_dim3A_86 : vector<1x1024xi32> to vector<16x1024xi32>
    %eq3A_88 = arith.cmpi eq, %broadcast_in_dim3A_87, %iota3A : vector<16x1024xi32>
    %convert_element_type3A_89 = arith.extui %eq3A_88 : vector<16x1024xi1> to vector<16x1024xi32>
    %convert_element_type3A_90 = arith.sitofp %convert_element_type3A_89 : vector<16x1024xi32> to vector<16x1024xf32>
    %slice3A_91 = vector.extract_strided_slice %reshape3A_20 {offsets = [6, 0], sizes = [1, 1024], strides = [1, 1]} : vector<8x1024xi32> to vector<1x1024xi32>
    %broadcast_in_dim3A_92 = vector.shape_cast %slice3A_91 : vector<1x1024xi32> to vector<1x1024xi32>
    %broadcast_in_dim3A_93 = vector.broadcast %broadcast_in_dim3A_92 : vector<1x1024xi32> to vector<16x1024xi32>
    %eq3A_94 = arith.cmpi eq, %broadcast_in_dim3A_93, %iota3A : vector<16x1024xi32>
    %convert_element_type3A_95 = arith.extui %eq3A_94 : vector<16x1024xi1> to vector<16x1024xi32>
    %convert_element_type3A_96 = arith.sitofp %convert_element_type3A_95 : vector<16x1024xi32> to vector<16x1024xf32>
    %slice3A_97 = vector.extract_strided_slice %reshape3A_20 {offsets = [7, 0], sizes = [1, 1024], strides = [1, 1]} : vector<8x1024xi32> to vector<1x1024xi32>
    %broadcast_in_dim3A_98 = vector.shape_cast %slice3A_97 : vector<1x1024xi32> to vector<1x1024xi32>
    %broadcast_in_dim3A_99 = vector.broadcast %broadcast_in_dim3A_98 : vector<1x1024xi32> to vector<16x1024xi32>
    %eq3A_100 = arith.cmpi eq, %broadcast_in_dim3A_99, %iota3A : vector<16x1024xi32>
    %convert_element_type3A_101 = arith.extui %eq3A_100 : vector<16x1024xi1> to vector<16x1024xi32>
    %convert_element_type3A_102 = arith.sitofp %convert_element_type3A_101 : vector<16x1024xi32> to vector<16x1024xf32>
    %concatenate3A = tpu.concatenate %convert_element_type3A_60, %convert_element_type3A_66, %convert_element_type3A_72, %convert_element_type3A_78, %convert_element_type3A_84, %convert_element_type3A_90, %convert_element_type3A_96, %convert_element_type3A_102 in 1 : vector<16x1024xf32>, vector<16x1024xf32>, vector<16x1024xf32>, vector<16x1024xf32>, vector<16x1024xf32>, vector<16x1024xf32>, vector<16x1024xf32>, vector<16x1024xf32> -> vector<16x8192xf32>
    %dot_general3A_103 = arith.constant dense<0.000000e+00> : vector<64x8192xf32>
    %dot_general3A_104 = tpu.matmul %transpose3A_38, %concatenate3A, %dot_general3A_103 {dimension_numbers = #tpu.dot_dimension_numbers<[1], [0], [0], [1], [0, 0, 1, 1], [], []>, transpose_lhs_hint = false} : vector<64x16xf32>, vector<16x8192xf32>, vector<64x8192xf32> -> vector<64x8192xf32>
    %dot_general3A_105 = arith.constant dense<0.000000e+00> : vector<64x8192xf32>
    %dot_general3A_106 = tpu.matmul %transpose3A_42, %concatenate3A, %dot_general3A_105 {dimension_numbers = #tpu.dot_dimension_numbers<[1], [0], [0], [1], [0, 0, 1, 1], [], []>, transpose_lhs_hint = false} : vector<64x16xf32>, vector<16x8192xf32>, vector<64x8192xf32> -> vector<64x8192xf32>
    %broadcast_in_dim3A_107 = vector.shape_cast %reshape3A_24 : vector<1x1024xi32> to vector<1x1024xi32>
    %broadcast_in_dim3A_108 = vector.broadcast %broadcast_in_dim3A_107 : vector<1x1024xi32> to vector<16x1024xi32>
    %eq3A_109 = arith.cmpi eq, %broadcast_in_dim3A_108, %iota3A : vector<16x1024xi32>
    %convert_element_type3A_110 = arith.extui %eq3A_109 : vector<16x1024xi1> to vector<16x1024xi32>
    %convert_element_type3A_111 = arith.sitofp %convert_element_type3A_110 : vector<16x1024xi32> to vector<16x1024xf32>
    %dot_general3A_112 = arith.constant dense<0.000000e+00> : vector<64x1024xf32>
    %dot_general3A_113 = tpu.matmul %transpose3A, %convert_element_type3A_111, %dot_general3A_112 {dimension_numbers = #tpu.dot_dimension_numbers<[1], [0], [0], [1], [0, 0, 1, 1], [], []>, transpose_lhs_hint = false} : vector<64x16xf32>, vector<16x1024xf32>, vector<64x1024xf32> -> vector<64x1024xf32>
    %add3A = arith.addf %dot_general3A_113, %broadcast_in_dim3A_56 : vector<64x1024xf32>
    %div3A = arith.constant 1.000000e+00 : f32
    %div3A_114 = vector.broadcast %div3A : f32 to vector<8x1024xf32>
    %div3A_115 = arith.divf %div3A_114, %get3A_15 : vector<8x1024xf32>
    %slice3A_116 = vector.extract_strided_slice %get3A_15 {offsets = [0, 0], sizes = [1, 1024], strides = [1, 1]} : vector<8x1024xf32> to vector<1x1024xf32>
    %broadcast_in_dim3A_117 = vector.shape_cast %slice3A_116 : vector<1x1024xf32> to vector<1x1024xf32>
    %broadcast_in_dim3A_118 = vector.broadcast %broadcast_in_dim3A_117 : vector<1x1024xf32> to vector<64x1024xf32>
    %slice3A_119 = vector.extract_strided_slice %div3A_115 {offsets = [0, 0], sizes = [1, 1024], strides = [1, 1]} : vector<8x1024xf32> to vector<1x1024xf32>
    %broadcast_in_dim3A_120 = vector.shape_cast %slice3A_119 : vector<1x1024xf32> to vector<1x1024xf32>
    %broadcast_in_dim3A_121 = vector.broadcast %broadcast_in_dim3A_120 : vector<1x1024xf32> to vector<64x1024xf32>
    %slice3A_122 = vector.extract_strided_slice %dot_general3A_104 {offsets = [0, 0], sizes = [64, 1024], strides = [1, 1]} : vector<64x8192xf32> to vector<64x1024xf32>
    %slice3A_123 = vector.extract_strided_slice %dot_general3A_106 {offsets = [0, 0], sizes = [64, 1024], strides = [1, 1]} : vector<64x8192xf32> to vector<64x1024xf32>
    %mul3A = arith.mulf %broadcast_in_dim3A_45, %broadcast_in_dim3A_118 : vector<64x1024xf32>
    %add3A_124 = arith.addf %add3A, %mul3A : vector<64x1024xf32>
    %mul3A_125 = arith.mulf %broadcast_in_dim3A_121, %slice3A_122 : vector<64x1024xf32>
    %add3A_126 = arith.addf %add3A_124, %mul3A_125 : vector<64x1024xf32>
    %mul3A_127 = arith.mulf %broadcast_in_dim3A_49, %broadcast_in_dim3A_118 : vector<64x1024xf32>
    %mul3A_128 = arith.mulf %broadcast_in_dim3A_121, %slice3A_123 : vector<64x1024xf32>
    %add3A_129 = arith.addf %mul3A_127, %mul3A_128 : vector<64x1024xf32>
    %slice3A_130 = vector.extract_strided_slice %get3A_15 {offsets = [1, 0], sizes = [1, 1024], strides = [1, 1]} : vector<8x1024xf32> to vector<1x1024xf32>
    %broadcast_in_dim3A_131 = vector.shape_cast %slice3A_130 : vector<1x1024xf32> to vector<1x1024xf32>
    %broadcast_in_dim3A_132 = vector.broadcast %broadcast_in_dim3A_131 : vector<1x1024xf32> to vector<64x1024xf32>
    %slice3A_133 = vector.extract_strided_slice %div3A_115 {offsets = [1, 0], sizes = [1, 1024], strides = [1, 1]} : vector<8x1024xf32> to vector<1x1024xf32>
    %broadcast_in_dim3A_134 = vector.shape_cast %slice3A_133 : vector<1x1024xf32> to vector<1x1024xf32>
    %broadcast_in_dim3A_135 = vector.broadcast %broadcast_in_dim3A_134 : vector<1x1024xf32> to vector<64x1024xf32>
    %slice3A_136 = vector.extract_strided_slice %dot_general3A_104 {offsets = [0, 1024], sizes = [64, 1024], strides = [1, 1]} : vector<64x8192xf32> to vector<64x1024xf32>
    %slice3A_137 = vector.extract_strided_slice %dot_general3A_106 {offsets = [0, 1024], sizes = [64, 1024], strides = [1, 1]} : vector<64x8192xf32> to vector<64x1024xf32>
    %mul3A_138 = arith.mulf %broadcast_in_dim3A_45, %broadcast_in_dim3A_132 : vector<64x1024xf32>
    %add3A_139 = arith.addf %add3A, %mul3A_138 : vector<64x1024xf32>
    %mul3A_140 = arith.mulf %broadcast_in_dim3A_135, %slice3A_136 : vector<64x1024xf32>
    %add3A_141 = arith.addf %add3A_139, %mul3A_140 : vector<64x1024xf32>
    %mul3A_142 = arith.mulf %broadcast_in_dim3A_49, %broadcast_in_dim3A_132 : vector<64x1024xf32>
    %mul3A_143 = arith.mulf %broadcast_in_dim3A_135, %slice3A_137 : vector<64x1024xf32>
    %add3A_144 = arith.addf %mul3A_142, %mul3A_143 : vector<64x1024xf32>
    %slice3A_145 = vector.extract_strided_slice %get3A_15 {offsets = [2, 0], sizes = [1, 1024], strides = [1, 1]} : vector<8x1024xf32> to vector<1x1024xf32>
    %broadcast_in_dim3A_146 = vector.shape_cast %slice3A_145 : vector<1x1024xf32> to vector<1x1024xf32>
    %broadcast_in_dim3A_147 = vector.broadcast %broadcast_in_dim3A_146 : vector<1x1024xf32> to vector<64x1024xf32>
    %slice3A_148 = vector.extract_strided_slice %div3A_115 {offsets = [2, 0], sizes = [1, 1024], strides = [1, 1]} : vector<8x1024xf32> to vector<1x1024xf32>
    %broadcast_in_dim3A_149 = vector.shape_cast %slice3A_148 : vector<1x1024xf32> to vector<1x1024xf32>
    %broadcast_in_dim3A_150 = vector.broadcast %broadcast_in_dim3A_149 : vector<1x1024xf32> to vector<64x1024xf32>
    %slice3A_151 = vector.extract_strided_slice %dot_general3A_104 {offsets = [0, 2048], sizes = [64, 1024], strides = [1, 1]} : vector<64x8192xf32> to vector<64x1024xf32>
    %slice3A_152 = vector.extract_strided_slice %dot_general3A_106 {offsets = [0, 2048], sizes = [64, 1024], strides = [1, 1]} : vector<64x8192xf32> to vector<64x1024xf32>
    %mul3A_153 = arith.mulf %broadcast_in_dim3A_45, %broadcast_in_dim3A_147 : vector<64x1024xf32>
    %add3A_154 = arith.addf %add3A, %mul3A_153 : vector<64x1024xf32>
    %mul3A_155 = arith.mulf %broadcast_in_dim3A_150, %slice3A_151 : vector<64x1024xf32>
    %add3A_156 = arith.addf %add3A_154, %mul3A_155 : vector<64x1024xf32>
    %mul3A_157 = arith.mulf %broadcast_in_dim3A_49, %broadcast_in_dim3A_147 : vector<64x1024xf32>
    %mul3A_158 = arith.mulf %broadcast_in_dim3A_150, %slice3A_152 : vector<64x1024xf32>
    %add3A_159 = arith.addf %mul3A_157, %mul3A_158 : vector<64x1024xf32>
    %slice3A_160 = vector.extract_strided_slice %get3A_15 {offsets = [3, 0], sizes = [1, 1024], strides = [1, 1]} : vector<8x1024xf32> to vector<1x1024xf32>
    %broadcast_in_dim3A_161 = vector.shape_cast %slice3A_160 : vector<1x1024xf32> to vector<1x1024xf32>
    %broadcast_in_dim3A_162 = vector.broadcast %broadcast_in_dim3A_161 : vector<1x1024xf32> to vector<64x1024xf32>
    %slice3A_163 = vector.extract_strided_slice %div3A_115 {offsets = [3, 0], sizes = [1, 1024], strides = [1, 1]} : vector<8x1024xf32> to vector<1x1024xf32>
    %broadcast_in_dim3A_164 = vector.shape_cast %slice3A_163 : vector<1x1024xf32> to vector<1x1024xf32>
    %broadcast_in_dim3A_165 = vector.broadcast %broadcast_in_dim3A_164 : vector<1x1024xf32> to vector<64x1024xf32>
    %slice3A_166 = vector.extract_strided_slice %dot_general3A_104 {offsets = [0, 3072], sizes = [64, 1024], strides = [1, 1]} : vector<64x8192xf32> to vector<64x1024xf32>
    %slice3A_167 = vector.extract_strided_slice %dot_general3A_106 {offsets = [0, 3072], sizes = [64, 1024], strides = [1, 1]} : vector<64x8192xf32> to vector<64x1024xf32>
    %mul3A_168 = arith.mulf %broadcast_in_dim3A_45, %broadcast_in_dim3A_162 : vector<64x1024xf32>
    %add3A_169 = arith.addf %add3A, %mul3A_168 : vector<64x1024xf32>
    %mul3A_170 = arith.mulf %broadcast_in_dim3A_165, %slice3A_166 : vector<64x1024xf32>
    %add3A_171 = arith.addf %add3A_169, %mul3A_170 : vector<64x1024xf32>
    %mul3A_172 = arith.mulf %broadcast_in_dim3A_49, %broadcast_in_dim3A_162 : vector<64x1024xf32>
    %mul3A_173 = arith.mulf %broadcast_in_dim3A_165, %slice3A_167 : vector<64x1024xf32>
    %add3A_174 = arith.addf %mul3A_172, %mul3A_173 : vector<64x1024xf32>
    %slice3A_175 = vector.extract_strided_slice %get3A_15 {offsets = [4, 0], sizes = [1, 1024], strides = [1, 1]} : vector<8x1024xf32> to vector<1x1024xf32>
    %broadcast_in_dim3A_176 = vector.shape_cast %slice3A_175 : vector<1x1024xf32> to vector<1x1024xf32>
    %broadcast_in_dim3A_177 = vector.broadcast %broadcast_in_dim3A_176 : vector<1x1024xf32> to vector<64x1024xf32>
    %slice3A_178 = vector.extract_strided_slice %div3A_115 {offsets = [4, 0], sizes = [1, 1024], strides = [1, 1]} : vector<8x1024xf32> to vector<1x1024xf32>
    %broadcast_in_dim3A_179 = vector.shape_cast %slice3A_178 : vector<1x1024xf32> to vector<1x1024xf32>
    %broadcast_in_dim3A_180 = vector.broadcast %broadcast_in_dim3A_179 : vector<1x1024xf32> to vector<64x1024xf32>
    %slice3A_181 = vector.extract_strided_slice %dot_general3A_104 {offsets = [0, 4096], sizes = [64, 1024], strides = [1, 1]} : vector<64x8192xf32> to vector<64x1024xf32>
    %slice3A_182 = vector.extract_strided_slice %dot_general3A_106 {offsets = [0, 4096], sizes = [64, 1024], strides = [1, 1]} : vector<64x8192xf32> to vector<64x1024xf32>
    %mul3A_183 = arith.mulf %broadcast_in_dim3A_45, %broadcast_in_dim3A_177 : vector<64x1024xf32>
    %add3A_184 = arith.addf %add3A, %mul3A_183 : vector<64x1024xf32>
    %mul3A_185 = arith.mulf %broadcast_in_dim3A_180, %slice3A_181 : vector<64x1024xf32>
    %add3A_186 = arith.addf %add3A_184, %mul3A_185 : vector<64x1024xf32>
    %mul3A_187 = arith.mulf %broadcast_in_dim3A_49, %broadcast_in_dim3A_177 : vector<64x1024xf32>
    %mul3A_188 = arith.mulf %broadcast_in_dim3A_180, %slice3A_182 : vector<64x1024xf32>
    %add3A_189 = arith.addf %mul3A_187, %mul3A_188 : vector<64x1024xf32>
    %slice3A_190 = vector.extract_strided_slice %get3A_15 {offsets = [5, 0], sizes = [1, 1024], strides = [1, 1]} : vector<8x1024xf32> to vector<1x1024xf32>
    %broadcast_in_dim3A_191 = vector.shape_cast %slice3A_190 : vector<1x1024xf32> to vector<1x1024xf32>
    %broadcast_in_dim3A_192 = vector.broadcast %broadcast_in_dim3A_191 : vector<1x1024xf32> to vector<64x1024xf32>
    %slice3A_193 = vector.extract_strided_slice %div3A_115 {offsets = [5, 0], sizes = [1, 1024], strides = [1, 1]} : vector<8x1024xf32> to vector<1x1024xf32>
    %broadcast_in_dim3A_194 = vector.shape_cast %slice3A_193 : vector<1x1024xf32> to vector<1x1024xf32>
    %broadcast_in_dim3A_195 = vector.broadcast %broadcast_in_dim3A_194 : vector<1x1024xf32> to vector<64x1024xf32>
    %slice3A_196 = vector.extract_strided_slice %dot_general3A_104 {offsets = [0, 5120], sizes = [64, 1024], strides = [1, 1]} : vector<64x8192xf32> to vector<64x1024xf32>
    %slice3A_197 = vector.extract_strided_slice %dot_general3A_106 {offsets = [0, 5120], sizes = [64, 1024], strides = [1, 1]} : vector<64x8192xf32> to vector<64x1024xf32>
    %mul3A_198 = arith.mulf %broadcast_in_dim3A_45, %broadcast_in_dim3A_192 : vector<64x1024xf32>
    %add3A_199 = arith.addf %add3A, %mul3A_198 : vector<64x1024xf32>
    %mul3A_200 = arith.mulf %broadcast_in_dim3A_195, %slice3A_196 : vector<64x1024xf32>
    %add3A_201 = arith.addf %add3A_199, %mul3A_200 : vector<64x1024xf32>
    %mul3A_202 = arith.mulf %broadcast_in_dim3A_49, %broadcast_in_dim3A_192 : vector<64x1024xf32>
    %mul3A_203 = arith.mulf %broadcast_in_dim3A_195, %slice3A_197 : vector<64x1024xf32>
    %add3A_204 = arith.addf %mul3A_202, %mul3A_203 : vector<64x1024xf32>
    %slice3A_205 = vector.extract_strided_slice %get3A_15 {offsets = [6, 0], sizes = [1, 1024], strides = [1, 1]} : vector<8x1024xf32> to vector<1x1024xf32>
    %broadcast_in_dim3A_206 = vector.shape_cast %slice3A_205 : vector<1x1024xf32> to vector<1x1024xf32>
    %broadcast_in_dim3A_207 = vector.broadcast %broadcast_in_dim3A_206 : vector<1x1024xf32> to vector<64x1024xf32>
    %slice3A_208 = vector.extract_strided_slice %div3A_115 {offsets = [6, 0], sizes = [1, 1024], strides = [1, 1]} : vector<8x1024xf32> to vector<1x1024xf32>
    %broadcast_in_dim3A_209 = vector.shape_cast %slice3A_208 : vector<1x1024xf32> to vector<1x1024xf32>
    %broadcast_in_dim3A_210 = vector.broadcast %broadcast_in_dim3A_209 : vector<1x1024xf32> to vector<64x1024xf32>
    %slice3A_211 = vector.extract_strided_slice %dot_general3A_104 {offsets = [0, 6144], sizes = [64, 1024], strides = [1, 1]} : vector<64x8192xf32> to vector<64x1024xf32>
    %slice3A_212 = vector.extract_strided_slice %dot_general3A_106 {offsets = [0, 6144], sizes = [64, 1024], strides = [1, 1]} : vector<64x8192xf32> to vector<64x1024xf32>
    %mul3A_213 = arith.mulf %broadcast_in_dim3A_45, %broadcast_in_dim3A_207 : vector<64x1024xf32>
    %add3A_214 = arith.addf %add3A, %mul3A_213 : vector<64x1024xf32>
    %mul3A_215 = arith.mulf %broadcast_in_dim3A_210, %slice3A_211 : vector<64x1024xf32>
    %add3A_216 = arith.addf %add3A_214, %mul3A_215 : vector<64x1024xf32>
    %mul3A_217 = arith.mulf %broadcast_in_dim3A_49, %broadcast_in_dim3A_207 : vector<64x1024xf32>
    %mul3A_218 = arith.mulf %broadcast_in_dim3A_210, %slice3A_212 : vector<64x1024xf32>
    %add3A_219 = arith.addf %mul3A_217, %mul3A_218 : vector<64x1024xf32>
    %slice3A_220 = vector.extract_strided_slice %get3A_15 {offsets = [7, 0], sizes = [1, 1024], strides = [1, 1]} : vector<8x1024xf32> to vector<1x1024xf32>
    %broadcast_in_dim3A_221 = vector.shape_cast %slice3A_220 : vector<1x1024xf32> to vector<1x1024xf32>
    %broadcast_in_dim3A_222 = vector.broadcast %broadcast_in_dim3A_221 : vector<1x1024xf32> to vector<64x1024xf32>
    %slice3A_223 = vector.extract_strided_slice %div3A_115 {offsets = [7, 0], sizes = [1, 1024], strides = [1, 1]} : vector<8x1024xf32> to vector<1x1024xf32>
    %broadcast_in_dim3A_224 = vector.shape_cast %slice3A_223 : vector<1x1024xf32> to vector<1x1024xf32>
    %broadcast_in_dim3A_225 = vector.broadcast %broadcast_in_dim3A_224 : vector<1x1024xf32> to vector<64x1024xf32>
    %slice3A_226 = vector.extract_strided_slice %dot_general3A_104 {offsets = [0, 7168], sizes = [64, 1024], strides = [1, 1]} : vector<64x8192xf32> to vector<64x1024xf32>
    %slice3A_227 = vector.extract_strided_slice %dot_general3A_106 {offsets = [0, 7168], sizes = [64, 1024], strides = [1, 1]} : vector<64x8192xf32> to vector<64x1024xf32>
    %mul3A_228 = arith.mulf %broadcast_in_dim3A_45, %broadcast_in_dim3A_222 : vector<64x1024xf32>
    %add3A_229 = arith.addf %add3A, %mul3A_228 : vector<64x1024xf32>
    %mul3A_230 = arith.mulf %broadcast_in_dim3A_225, %slice3A_226 : vector<64x1024xf32>
    %add3A_231 = arith.addf %add3A_229, %mul3A_230 : vector<64x1024xf32>
    %mul3A_232 = arith.mulf %broadcast_in_dim3A_49, %broadcast_in_dim3A_222 : vector<64x1024xf32>
    %mul3A_233 = arith.mulf %broadcast_in_dim3A_225, %slice3A_227 : vector<64x1024xf32>
    %add3A_234 = arith.addf %mul3A_232, %mul3A_233 : vector<64x1024xf32>
    %slice3A_235 = vector.extract_strided_slice %reshape3A {offsets = [0, 0], sizes = [1, 1024], strides = [1, 1]} : vector<8x1024xf32> to vector<1x1024xf32>
    %sub3A = vector.broadcast %slice3A_235 : vector<1x1024xf32> to vector<8x1024xf32>
    %sub3A_236 = arith.subf %sub3A, %reshape3A : vector<8x1024xf32>
    %slice3A_237 = vector.extract_strided_slice %reshape3A_7 {offsets = [0, 0], sizes = [1, 1024], strides = [1, 1]} : vector<8x1024xf32> to vector<1x1024xf32>
    %sub3A_238 = vector.broadcast %slice3A_237 : vector<1x1024xf32> to vector<8x1024xf32>
    %sub3A_239 = arith.subf %sub3A_238, %reshape3A_7 : vector<8x1024xf32>
    %slice3A_240 = vector.extract_strided_slice %reshape3A_12 {offsets = [0, 0], sizes = [1, 1024], strides = [1, 1]} : vector<8x1024xf32> to vector<1x1024xf32>
    %sub3A_241 = vector.broadcast %slice3A_240 : vector<1x1024xf32> to vector<8x1024xf32>
    %sub3A_242 = arith.subf %sub3A_241, %reshape3A_12 : vector<8x1024xf32>
    %mul3A_243 = arith.mulf %sub3A_236, %sub3A_236 : vector<8x1024xf32>
    %mul3A_244 = arith.mulf %sub3A_239, %sub3A_239 : vector<8x1024xf32>
    %add3A_245 = arith.addf %mul3A_243, %mul3A_244 : vector<8x1024xf32>
    %mul3A_246 = arith.mulf %sub3A_242, %sub3A_242 : vector<8x1024xf32>
    %add3A_247 = arith.addf %add3A_245, %mul3A_246 : vector<8x1024xf32>
    %sqrt3A = math.sqrt %add3A_247 : vector<8x1024xf32>
    %slice3A_248 = vector.extract_strided_slice %get3A_15 {offsets = [0, 0], sizes = [1, 1024], strides = [1, 1]} : vector<8x1024xf32> to vector<1x1024xf32>
    %max3A = vector.broadcast %slice3A_248 : vector<1x1024xf32> to vector<8x1024xf32>
    %max3A_249 = arith.maximumf %max3A, %get3A_15 : vector<8x1024xf32>
    %slice3A_250 = vector.extract_strided_slice %get3A_15 {offsets = [0, 0], sizes = [1, 1024], strides = [1, 1]} : vector<8x1024xf32> to vector<1x1024xf32>
    %min3A = vector.broadcast %slice3A_250 : vector<1x1024xf32> to vector<8x1024xf32>
    %min3A_251 = arith.minimumf %min3A, %get3A_15 : vector<8x1024xf32>
    %sub3A_252 = arith.subf %sqrt3A, %max3A_249 : vector<8x1024xf32>
    %add3A_253 = arith.addf %sub3A_252, %min3A_251 : vector<8x1024xf32>
    %mul3A_254 = arith.constant 2.000000e+00 : f32
    %mul3A_255 = vector.broadcast %mul3A_254 : f32 to vector<8x1024xf32>
    %mul3A_256 = arith.mulf %mul3A_255, %min3A_251 : vector<8x1024xf32>
    %div3A_257 = arith.divf %add3A_253, %mul3A_256 : vector<8x1024xf32>
    %slice3A_258 = vector.extract_strided_slice %div3A_257 {offsets = [1, 0], sizes = [1, 1024], strides = [1, 1]} : vector<8x1024xf32> to vector<1x1024xf32>
    %broadcast_in_dim3A_259 = vector.shape_cast %slice3A_258 : vector<1x1024xf32> to vector<1x1024xf32>
    %broadcast_in_dim3A_260 = vector.broadcast %broadcast_in_dim3A_259 : vector<1x1024xf32> to vector<64x1024xf32>
    %add3A_261 = arith.addf %add3A_126, %add3A_144 : vector<64x1024xf32>
    %mul3A_262 = arith.mulf %broadcast_in_dim3A_53, %broadcast_in_dim3A_260 : vector<64x1024xf32>
    %add3A_263 = arith.addf %add3A_261, %mul3A_262 : vector<64x1024xf32>
    %swap3A = arith.constant 0 : index
    %swap3A_264 = arith.constant 0 : index
    %swap3A_265 = arith.constant 0 : index
    %swap3A_266 = vector.load %arg10[%swap3A, %swap3A_264, %swap3A_265] : memref<56x64x1024xf32, #tpu.memory_space<vmem>>, vector<1x64x1024xf32>
    %swap3A_267 = vector.shape_cast %swap3A_266 : vector<1x64x1024xf32> to vector<64x1024xf32>
    %swap3A_268 = vector.shape_cast %add3A_263 : vector<64x1024xf32> to vector<1x64x1024xf32>
    tpu.vector_store %arg10[%swap3A, %swap3A_264, %swap3A_265], %swap3A_268 {strides = array<i32>} : memref<56x64x1024xf32, #tpu.memory_space<vmem>>, vector<1x64x1024xf32>,
    %slice3A_269 = vector.extract_strided_slice %div3A_257 {offsets = [2, 0], sizes = [1, 1024], strides = [1, 1]} : vector<8x1024xf32> to vector<1x1024xf32>
    %broadcast_in_dim3A_270 = vector.shape_cast %slice3A_269 : vector<1x1024xf32> to vector<1x1024xf32>
    %broadcast_in_dim3A_271 = vector.broadcast %broadcast_in_dim3A_270 : vector<1x1024xf32> to vector<64x1024xf32>
    %add3A_272 = arith.addf %add3A_126, %add3A_159 : vector<64x1024xf32>
    %mul3A_273 = arith.mulf %broadcast_in_dim3A_53, %broadcast_in_dim3A_271 : vector<64x1024xf32>
    %add3A_274 = arith.addf %add3A_272, %mul3A_273 : vector<64x1024xf32>
    %swap3A_275 = arith.constant 1 : index
    %swap3A_276 = arith.constant 0 : index
    %swap3A_277 = arith.constant 0 : index
    %swap3A_278 = vector.load %arg10[%swap3A_275, %swap3A_276, %swap3A_277] : memref<56x64x1024xf32, #tpu.memory_space<vmem>>, vector<1x64x1024xf32>
    %swap3A_279 = vector.shape_cast %swap3A_278 : vector<1x64x1024xf32> to vector<64x1024xf32>
    %swap3A_280 = vector.shape_cast %add3A_274 : vector<64x1024xf32> to vector<1x64x1024xf32>
    tpu.vector_store %arg10[%swap3A_275, %swap3A_276, %swap3A_277], %swap3A_280 {strides = array<i32>} : memref<56x64x1024xf32, #tpu.memory_space<vmem>>, vector<1x64x1024xf32>,
    %slice3A_281 = vector.extract_strided_slice %div3A_257 {offsets = [3, 0], sizes = [1, 1024], strides = [1, 1]} : vector<8x1024xf32> to vector<1x1024xf32>
    %broadcast_in_dim3A_282 = vector.shape_cast %slice3A_281 : vector<1x1024xf32> to vector<1x1024xf32>
    %broadcast_in_dim3A_283 = vector.broadcast %broadcast_in_dim3A_282 : vector<1x1024xf32> to vector<64x1024xf32>
    %add3A_284 = arith.addf %add3A_126, %add3A_174 : vector<64x1024xf32>
    %mul3A_285 = arith.mulf %broadcast_in_dim3A_53, %broadcast_in_dim3A_283 : vector<64x1024xf32>
    %add3A_286 = arith.addf %add3A_284, %mul3A_285 : vector<64x1024xf32>
    %swap3A_287 = arith.constant 2 : index
    %swap3A_288 = arith.constant 0 : index
    %swap3A_289 = arith.constant 0 : index
    %swap3A_290 = vector.load %arg10[%swap3A_287, %swap3A_288, %swap3A_289] : memref<56x64x1024xf32, #tpu.memory_space<vmem>>, vector<1x64x1024xf32>
    %swap3A_291 = vector.shape_cast %swap3A_290 : vector<1x64x1024xf32> to vector<64x1024xf32>
    %swap3A_292 = vector.shape_cast %add3A_286 : vector<64x1024xf32> to vector<1x64x1024xf32>
    tpu.vector_store %arg10[%swap3A_287, %swap3A_288, %swap3A_289], %swap3A_292 {strides = array<i32>} : memref<56x64x1024xf32, #tpu.memory_space<vmem>>, vector<1x64x1024xf32>,
    %slice3A_293 = vector.extract_strided_slice %div3A_257 {offsets = [4, 0], sizes = [1, 1024], strides = [1, 1]} : vector<8x1024xf32> to vector<1x1024xf32>
    %broadcast_in_dim3A_294 = vector.shape_cast %slice3A_293 : vector<1x1024xf32> to vector<1x1024xf32>
    %broadcast_in_dim3A_295 = vector.broadcast %broadcast_in_dim3A_294 : vector<1x1024xf32> to vector<64x1024xf32>
    %add3A_296 = arith.addf %add3A_126, %add3A_189 : vector<64x1024xf32>
    %mul3A_297 = arith.mulf %broadcast_in_dim3A_53, %broadcast_in_dim3A_295 : vector<64x1024xf32>
    %add3A_298 = arith.addf %add3A_296, %mul3A_297 : vector<64x1024xf32>
    %swap3A_299 = arith.constant 3 : index
    %swap3A_300 = arith.constant 0 : index
    %swap3A_301 = arith.constant 0 : index
    %swap3A_302 = vector.load %arg10[%swap3A_299, %swap3A_300, %swap3A_301] : memref<56x64x1024xf32, #tpu.memory_space<vmem>>, vector<1x64x1024xf32>
    %swap3A_303 = vector.shape_cast %swap3A_302 : vector<1x64x1024xf32> to vector<64x1024xf32>
    %swap3A_304 = vector.shape_cast %add3A_298 : vector<64x1024xf32> to vector<1x64x1024xf32>
    tpu.vector_store %arg10[%swap3A_299, %swap3A_300, %swap3A_301], %swap3A_304 {strides = array<i32>} : memref<56x64x1024xf32, #tpu.memory_space<vmem>>, vector<1x64x1024xf32>,
    %slice3A_305 = vector.extract_strided_slice %div3A_257 {offsets = [5, 0], sizes = [1, 1024], strides = [1, 1]} : vector<8x1024xf32> to vector<1x1024xf32>
    %broadcast_in_dim3A_306 = vector.shape_cast %slice3A_305 : vector<1x1024xf32> to vector<1x1024xf32>
    %broadcast_in_dim3A_307 = vector.broadcast %broadcast_in_dim3A_306 : vector<1x1024xf32> to vector<64x1024xf32>
    %add3A_308 = arith.addf %add3A_126, %add3A_204 : vector<64x1024xf32>
    %mul3A_309 = arith.mulf %broadcast_in_dim3A_53, %broadcast_in_dim3A_307 : vector<64x1024xf32>
    %add3A_310 = arith.addf %add3A_308, %mul3A_309 : vector<64x1024xf32>
    %swap3A_311 = arith.constant 4 : index
    %swap3A_312 = arith.constant 0 : index
    %swap3A_313 = arith.constant 0 : index
    %swap3A_314 = vector.load %arg10[%swap3A_311, %swap3A_312, %swap3A_313] : memref<56x64x1024xf32, #tpu.memory_space<vmem>>, vector<1x64x1024xf32>
    %swap3A_315 = vector.shape_cast %swap3A_314 : vector<1x64x1024xf32> to vector<64x1024xf32>
    %swap3A_316 = vector.shape_cast %add3A_310 : vector<64x1024xf32> to vector<1x64x1024xf32>
    tpu.vector_store %arg10[%swap3A_311, %swap3A_312, %swap3A_313], %swap3A_316 {strides = array<i32>} : memref<56x64x1024xf32, #tpu.memory_space<vmem>>, vector<1x64x1024xf32>,
    %slice3A_317 = vector.extract_strided_slice %div3A_257 {offsets = [6, 0], sizes = [1, 1024], strides = [1, 1]} : vector<8x1024xf32> to vector<1x1024xf32>
    %broadcast_in_dim3A_318 = vector.shape_cast %slice3A_317 : vector<1x1024xf32> to vector<1x1024xf32>
    %broadcast_in_dim3A_319 = vector.broadcast %broadcast_in_dim3A_318 : vector<1x1024xf32> to vector<64x1024xf32>
    %add3A_320 = arith.addf %add3A_126, %add3A_219 : vector<64x1024xf32>
    %mul3A_321 = arith.mulf %broadcast_in_dim3A_53, %broadcast_in_dim3A_319 : vector<64x1024xf32>
    %add3A_322 = arith.addf %add3A_320, %mul3A_321 : vector<64x1024xf32>
    %swap3A_323 = arith.constant 5 : index
    %swap3A_324 = arith.constant 0 : index
    %swap3A_325 = arith.constant 0 : index
    %swap3A_326 = vector.load %arg10[%swap3A_323, %swap3A_324, %swap3A_325] : memref<56x64x1024xf32, #tpu.memory_space<vmem>>, vector<1x64x1024xf32>
    %swap3A_327 = vector.shape_cast %swap3A_326 : vector<1x64x1024xf32> to vector<64x1024xf32>
    %swap3A_328 = vector.shape_cast %add3A_322 : vector<64x1024xf32> to vector<1x64x1024xf32>
    tpu.vector_store %arg10[%swap3A_323, %swap3A_324, %swap3A_325], %swap3A_328 {strides = array<i32>} : memref<56x64x1024xf32, #tpu.memory_space<vmem>>, vector<1x64x1024xf32>,
    %slice3A_329 = vector.extract_strided_slice %div3A_257 {offsets = [7, 0], sizes = [1, 1024], strides = [1, 1]} : vector<8x1024xf32> to vector<1x1024xf32>
    %broadcast_in_dim3A_330 = vector.shape_cast %slice3A_329 : vector<1x1024xf32> to vector<1x1024xf32>
    %broadcast_in_dim3A_331 = vector.broadcast %broadcast_in_dim3A_330 : vector<1x1024xf32> to vector<64x1024xf32>
    %add3A_332 = arith.addf %add3A_126, %add3A_234 : vector<64x1024xf32>
    %mul3A_333 = arith.mulf %broadcast_in_dim3A_53, %broadcast_in_dim3A_331 : vector<64x1024xf32>
    %add3A_334 = arith.addf %add3A_332, %mul3A_333 : vector<64x1024xf32>
    %swap3A_335 = arith.constant 6 : index
    %swap3A_336 = arith.constant 0 : index
    %swap3A_337 = arith.constant 0 : index
    %swap3A_338 = vector.load %arg10[%swap3A_335, %swap3A_336, %swap3A_337] : memref<56x64x1024xf32, #tpu.memory_space<vmem>>, vector<1x64x1024xf32>
    %swap3A_339 = vector.shape_cast %swap3A_338 : vector<1x64x1024xf32> to vector<64x1024xf32>
    %swap3A_340 = vector.shape_cast %add3A_334 : vector<64x1024xf32> to vector<1x64x1024xf32>
    tpu.vector_store %arg10[%swap3A_335, %swap3A_336, %swap3A_337], %swap3A_340 {strides = array<i32>} : memref<56x64x1024xf32, #tpu.memory_space<vmem>>, vector<1x64x1024xf32>,
    %slice3A_341 = vector.extract_strided_slice %reshape3A {offsets = [1, 0], sizes = [1, 1024], strides = [1, 1]} : vector<8x1024xf32> to vector<1x1024xf32>
    %sub3A_342 = vector.broadcast %slice3A_341 : vector<1x1024xf32> to vector<8x1024xf32>
    %sub3A_343 = arith.subf %sub3A_342, %reshape3A : vector<8x1024xf32>
    %slice3A_344 = vector.extract_strided_slice %reshape3A_7 {offsets = [1, 0], sizes = [1, 1024], strides = [1, 1]} : vector<8x1024xf32> to vector<1x1024xf32>
    %sub3A_345 = vector.broadcast %slice3A_344 : vector<1x1024xf32> to vector<8x1024xf32>
    %sub3A_346 = arith.subf %sub3A_345, %reshape3A_7 : vector<8x1024xf32>
    %slice3A_347 = vector.extract_strided_slice %reshape3A_12 {offsets = [1, 0], sizes = [1, 1024], strides = [1, 1]} : vector<8x1024xf32> to vector<1x1024xf32>
    %sub3A_348 = vector.broadcast %slice3A_347 : vector<1x1024xf32> to vector<8x1024xf32>
    %sub3A_349 = arith.subf %sub3A_348, %reshape3A_12 : vector<8x1024xf32>
    %mul3A_350 = arith.mulf %sub3A_343, %sub3A_343 : vector<8x1024xf32>
    %mul3A_351 = arith.mulf %sub3A_346, %sub3A_346 : vector<8x1024xf32>
    %add3A_352 = arith.addf %mul3A_350, %mul3A_351 : vector<8x1024xf32>
    %mul3A_353 = arith.mulf %sub3A_349, %sub3A_349 : vector<8x1024xf32>
    %add3A_354 = arith.addf %add3A_352, %mul3A_353 : vector<8x1024xf32>
    %sqrt3A_355 = math.sqrt %add3A_354 : vector<8x1024xf32>
    %slice3A_356 = vector.extract_strided_slice %get3A_15 {offsets = [1, 0], sizes = [1, 1024], strides = [1, 1]} : vector<8x1024xf32> to vector<1x1024xf32>
    %max3A_357 = vector.broadcast %slice3A_356 : vector<1x1024xf32> to vector<8x1024xf32>
    %max3A_358 = arith.maximumf %max3A_357, %get3A_15 : vector<8x1024xf32>
    %slice3A_359 = vector.extract_strided_slice %get3A_15 {offsets = [1, 0], sizes = [1, 1024], strides = [1, 1]} : vector<8x1024xf32> to vector<1x1024xf32>
    %min3A_360 = vector.broadcast %slice3A_359 : vector<1x1024xf32> to vector<8x1024xf32>
    %min3A_361 = arith.minimumf %min3A_360, %get3A_15 : vector<8x1024xf32>
    %sub3A_362 = arith.subf %sqrt3A_355, %max3A_358 : vector<8x1024xf32>
    %add3A_363 = arith.addf %sub3A_362, %min3A_361 : vector<8x1024xf32>
    %mul3A_364 = arith.constant 2.000000e+00 : f32
    %mul3A_365 = vector.broadcast %mul3A_364 : f32 to vector<8x1024xf32>
    %mul3A_366 = arith.mulf %mul3A_365, %min3A_361 : vector<8x1024xf32>
    %div3A_367 = arith.divf %add3A_363, %mul3A_366 : vector<8x1024xf32>
    %slice3A_368 = vector.extract_strided_slice %div3A_367 {offsets = [0, 0], sizes = [1, 1024], strides = [1, 1]} : vector<8x1024xf32> to vector<1x1024xf32>
    %broadcast_in_dim3A_369 = vector.shape_cast %slice3A_368 : vector<1x1024xf32> to vector<1x1024xf32>
    %broadcast_in_dim3A_370 = vector.broadcast %broadcast_in_dim3A_369 : vector<1x1024xf32> to vector<64x1024xf32>
    %add3A_371 = arith.addf %add3A_141, %add3A_129 : vector<64x1024xf32>
    %mul3A_372 = arith.mulf %broadcast_in_dim3A_53, %broadcast_in_dim3A_370 : vector<64x1024xf32>
    %add3A_373 = arith.addf %add3A_371, %mul3A_372 : vector<64x1024xf32>
    %swap3A_374 = arith.constant 7 : index
    %swap3A_375 = arith.constant 0 : index
    %swap3A_376 = arith.constant 0 : index
    %swap3A_377 = vector.load %arg10[%swap3A_374, %swap3A_375, %swap3A_376] : memref<56x64x1024xf32, #tpu.memory_space<vmem>>, vector<1x64x1024xf32>
    %swap3A_378 = vector.shape_cast %swap3A_377 : vector<1x64x1024xf32> to vector<64x1024xf32>
    %swap3A_379 = vector.shape_cast %add3A_373 : vector<64x1024xf32> to vector<1x64x1024xf32>
    tpu.vector_store %arg10[%swap3A_374, %swap3A_375, %swap3A_376], %swap3A_379 {strides = array<i32>} : memref<56x64x1024xf32, #tpu.memory_space<vmem>>, vector<1x64x1024xf32>,
    %slice3A_380 = vector.extract_strided_slice %div3A_367 {offsets = [2, 0], sizes = [1, 1024], strides = [1, 1]} : vector<8x1024xf32> to vector<1x1024xf32>
    %broadcast_in_dim3A_381 = vector.shape_cast %slice3A_380 : vector<1x1024xf32> to vector<1x1024xf32>
    %broadcast_in_dim3A_382 = vector.broadcast %broadcast_in_dim3A_381 : vector<1x1024xf32> to vector<64x1024xf32>
    %add3A_383 = arith.addf %add3A_141, %add3A_159 : vector<64x1024xf32>
    %mul3A_384 = arith.mulf %broadcast_in_dim3A_53, %broadcast_in_dim3A_382 : vector<64x1024xf32>
    %add3A_385 = arith.addf %add3A_383, %mul3A_384 : vector<64x1024xf32>
    %swap3A_386 = arith.constant 8 : index
    %swap3A_387 = arith.constant 0 : index
    %swap3A_388 = arith.constant 0 : index
    %swap3A_389 = vector.load %arg10[%swap3A_386, %swap3A_387, %swap3A_388] : memref<56x64x1024xf32, #tpu.memory_space<vmem>>, vector<1x64x1024xf32>
    %swap3A_390 = vector.shape_cast %swap3A_389 : vector<1x64x1024xf32> to vector<64x1024xf32>
    %swap3A_391 = vector.shape_cast %add3A_385 : vector<64x1024xf32> to vector<1x64x1024xf32>
    tpu.vector_store %arg10[%swap3A_386, %swap3A_387, %swap3A_388], %swap3A_391 {strides = array<i32>} : memref<56x64x1024xf32, #tpu.memory_space<vmem>>, vector<1x64x1024xf32>,
    %slice3A_392 = vector.extract_strided_slice %div3A_367 {offsets = [3, 0], sizes = [1, 1024], strides = [1, 1]} : vector<8x1024xf32> to vector<1x1024xf32>
    %broadcast_in_dim3A_393 = vector.shape_cast %slice3A_392 : vector<1x1024xf32> to vector<1x1024xf32>
    %broadcast_in_dim3A_394 = vector.broadcast %broadcast_in_dim3A_393 : vector<1x1024xf32> to vector<64x1024xf32>
    %add3A_395 = arith.addf %add3A_141, %add3A_174 : vector<64x1024xf32>
    %mul3A_396 = arith.mulf %broadcast_in_dim3A_53, %broadcast_in_dim3A_394 : vector<64x1024xf32>
    %add3A_397 = arith.addf %add3A_395, %mul3A_396 : vector<64x1024xf32>
    %swap3A_398 = arith.constant 9 : index
    %swap3A_399 = arith.constant 0 : index
    %swap3A_400 = arith.constant 0 : index
    %swap3A_401 = vector.load %arg10[%swap3A_398, %swap3A_399, %swap3A_400] : memref<56x64x1024xf32, #tpu.memory_space<vmem>>, vector<1x64x1024xf32>
    %swap3A_402 = vector.shape_cast %swap3A_401 : vector<1x64x1024xf32> to vector<64x1024xf32>
    %swap3A_403 = vector.shape_cast %add3A_397 : vector<64x1024xf32> to vector<1x64x1024xf32>
    tpu.vector_store %arg10[%swap3A_398, %swap3A_399, %swap3A_400], %swap3A_403 {strides = array<i32>} : memref<56x64x1024xf32, #tpu.memory_space<vmem>>, vector<1x64x1024xf32>,
    %slice3A_404 = vector.extract_strided_slice %div3A_367 {offsets = [4, 0], sizes = [1, 1024], strides = [1, 1]} : vector<8x1024xf32> to vector<1x1024xf32>
    %broadcast_in_dim3A_405 = vector.shape_cast %slice3A_404 : vector<1x1024xf32> to vector<1x1024xf32>
    %broadcast_in_dim3A_406 = vector.broadcast %broadcast_in_dim3A_405 : vector<1x1024xf32> to vector<64x1024xf32>
    %add3A_407 = arith.addf %add3A_141, %add3A_189 : vector<64x1024xf32>
    %mul3A_408 = arith.mulf %broadcast_in_dim3A_53, %broadcast_in_dim3A_406 : vector<64x1024xf32>
    %add3A_409 = arith.addf %add3A_407, %mul3A_408 : vector<64x1024xf32>
    %swap3A_410 = arith.constant 10 : index
    %swap3A_411 = arith.constant 0 : index
    %swap3A_412 = arith.constant 0 : index
    %swap3A_413 = vector.load %arg10[%swap3A_410, %swap3A_411, %swap3A_412] : memref<56x64x1024xf32, #tpu.memory_space<vmem>>, vector<1x64x1024xf32>
    %swap3A_414 = vector.shape_cast %swap3A_413 : vector<1x64x1024xf32> to vector<64x1024xf32>
    %swap3A_415 = vector.shape_cast %add3A_409 : vector<64x1024xf32> to vector<1x64x1024xf32>
    tpu.vector_store %arg10[%swap3A_410, %swap3A_411, %swap3A_412], %swap3A_415 {strides = array<i32>} : memref<56x64x1024xf32, #tpu.memory_space<vmem>>, vector<1x64x1024xf32>,
    %slice3A_416 = vector.extract_strided_slice %div3A_367 {offsets = [5, 0], sizes = [1, 1024], strides = [1, 1]} : vector<8x1024xf32> to vector<1x1024xf32>
    %broadcast_in_dim3A_417 = vector.shape_cast %slice3A_416 : vector<1x1024xf32> to vector<1x1024xf32>
    %broadcast_in_dim3A_418 = vector.broadcast %broadcast_in_dim3A_417 : vector<1x1024xf32> to vector<64x1024xf32>
    %add3A_419 = arith.addf %add3A_141, %add3A_204 : vector<64x1024xf32>
    %mul3A_420 = arith.mulf %broadcast_in_dim3A_53, %broadcast_in_dim3A_418 : vector<64x1024xf32>
    %add3A_421 = arith.addf %add3A_419, %mul3A_420 : vector<64x1024xf32>
    %swap3A_422 = arith.constant 11 : index
    %swap3A_423 = arith.constant 0 : index
    %swap3A_424 = arith.constant 0 : index
    %swap3A_425 = vector.load %arg10[%swap3A_422, %swap3A_423, %swap3A_424] : memref<56x64x1024xf32, #tpu.memory_space<vmem>>, vector<1x64x1024xf32>
    %swap3A_426 = vector.shape_cast %swap3A_425 : vector<1x64x1024xf32> to vector<64x1024xf32>
    %swap3A_427 = vector.shape_cast %add3A_421 : vector<64x1024xf32> to vector<1x64x1024xf32>
    tpu.vector_store %arg10[%swap3A_422, %swap3A_423, %swap3A_424], %swap3A_427 {strides = array<i32>} : memref<56x64x1024xf32, #tpu.memory_space<vmem>>, vector<1x64x1024xf32>,
    %slice3A_428 = vector.extract_strided_slice %div3A_367 {offsets = [6, 0], sizes = [1, 1024], strides = [1, 1]} : vector<8x1024xf32> to vector<1x1024xf32>
    %broadcast_in_dim3A_429 = vector.shape_cast %slice3A_428 : vector<1x1024xf32> to vector<1x1024xf32>
    %broadcast_in_dim3A_430 = vector.broadcast %broadcast_in_dim3A_429 : vector<1x1024xf32> to vector<64x1024xf32>
    %add3A_431 = arith.addf %add3A_141, %add3A_219 : vector<64x1024xf32>
    %mul3A_432 = arith.mulf %broadcast_in_dim3A_53, %broadcast_in_dim3A_430 : vector<64x1024xf32>
    %add3A_433 = arith.addf %add3A_431, %mul3A_432 : vector<64x1024xf32>
    %swap3A_434 = arith.constant 12 : index
    %swap3A_435 = arith.constant 0 : index
    %swap3A_436 = arith.constant 0 : index
    %swap3A_437 = vector.load %arg10[%swap3A_434, %swap3A_435, %swap3A_436] : memref<56x64x1024xf32, #tpu.memory_space<vmem>>, vector<1x64x1024xf32>
    %swap3A_438 = vector.shape_cast %swap3A_437 : vector<1x64x1024xf32> to vector<64x1024xf32>
    %swap3A_439 = vector.shape_cast %add3A_433 : vector<64x1024xf32> to vector<1x64x1024xf32>
    tpu.vector_store %arg10[%swap3A_434, %swap3A_435, %swap3A_436], %swap3A_439 {strides = array<i32>} : memref<56x64x1024xf32, #tpu.memory_space<vmem>>, vector<1x64x1024xf32>,
    %slice3A_440 = vector.extract_strided_slice %div3A_367 {offsets = [7, 0], sizes = [1, 1024], strides = [1, 1]} : vector<8x1024xf32> to vector<1x1024xf32>
    %broadcast_in_dim3A_441 = vector.shape_cast %slice3A_440 : vector<1x1024xf32> to vector<1x1024xf32>
    %broadcast_in_dim3A_442 = vector.broadcast %broadcast_in_dim3A_441 : vector<1x1024xf32> to vector<64x1024xf32>
    %add3A_443 = arith.addf %add3A_141, %add3A_234 : vector<64x1024xf32>
    %mul3A_444 = arith.mulf %broadcast_in_dim3A_53, %broadcast_in_dim3A_442 : vector<64x1024xf32>
    %add3A_445 = arith.addf %add3A_443, %mul3A_444 : vector<64x1024xf32>
    %swap3A_446 = arith.constant 13 : index
    %swap3A_447 = arith.constant 0 : index
    %swap3A_448 = arith.constant 0 : index
    %swap3A_449 = vector.load %arg10[%swap3A_446, %swap3A_447, %swap3A_448] : memref<56x64x1024xf32, #tpu.memory_space<vmem>>, vector<1x64x1024xf32>
    %swap3A_450 = vector.shape_cast %swap3A_449 : vector<1x64x1024xf32> to vector<64x1024xf32>
    %swap3A_451 = vector.shape_cast %add3A_445 : vector<64x1024xf32> to vector<1x64x1024xf32>
    tpu.vector_store %arg10[%swap3A_446, %swap3A_447, %swap3A_448], %swap3A_451 {strides = array<i32>} : memref<56x64x1024xf32, #tpu.memory_space<vmem>>, vector<1x64x1024xf32>,
    %slice3A_452 = vector.extract_strided_slice %reshape3A {offsets = [2, 0], sizes = [1, 1024], strides = [1, 1]} : vector<8x1024xf32> to vector<1x1024xf32>
    %sub3A_453 = vector.broadcast %slice3A_452 : vector<1x1024xf32> to vector<8x1024xf32>
    %sub3A_454 = arith.subf %sub3A_453, %reshape3A : vector<8x1024xf32>
    %slice3A_455 = vector.extract_strided_slice %reshape3A_7 {offsets = [2, 0], sizes = [1, 1024], strides = [1, 1]} : vector<8x1024xf32> to vector<1x1024xf32>
    %sub3A_456 = vector.broadcast %slice3A_455 : vector<1x1024xf32> to vector<8x1024xf32>
    %sub3A_457 = arith.subf %sub3A_456, %reshape3A_7 : vector<8x1024xf32>
    %slice3A_458 = vector.extract_strided_slice %reshape3A_12 {offsets = [2, 0], sizes = [1, 1024], strides = [1, 1]} : vector<8x1024xf32> to vector<1x1024xf32>
    %sub3A_459 = vector.broadcast %slice3A_458 : vector<1x1024xf32> to vector<8x1024xf32>
    %sub3A_460 = arith.subf %sub3A_459, %reshape3A_12 : vector<8x1024xf32>
    %mul3A_461 = arith.mulf %sub3A_454, %sub3A_454 : vector<8x1024xf32>
    %mul3A_462 = arith.mulf %sub3A_457, %sub3A_457 : vector<8x1024xf32>
    %add3A_463 = arith.addf %mul3A_461, %mul3A_462 : vector<8x1024xf32>
    %mul3A_464 = arith.mulf %sub3A_460, %sub3A_460 : vector<8x1024xf32>
    %add3A_465 = arith.addf %add3A_463, %mul3A_464 : vector<8x1024xf32>
    %sqrt3A_466 = math.sqrt %add3A_465 : vector<8x1024xf32>
    %slice3A_467 = vector.extract_strided_slice %get3A_15 {offsets = [2, 0], sizes = [1, 1024], strides = [1, 1]} : vector<8x1024xf32> to vector<1x1024xf32>
    %max3A_468 = vector.broadcast %slice3A_467 : vector<1x1024xf32> to vector<8x1024xf32>
    %max3A_469 = arith.maximumf %max3A_468, %get3A_15 : vector<8x1024xf32>
    %slice3A_470 = vector.extract_strided_slice %get3A_15 {offsets = [2, 0], sizes = [1, 1024], strides = [1, 1]} : vector<8x1024xf32> to vector<1x1024xf32>
    %min3A_471 = vector.broadcast %slice3A_470 : vector<1x1024xf32> to vector<8x1024xf32>
    %min3A_472 = arith.minimumf %min3A_471, %get3A_15 : vector<8x1024xf32>
    %sub3A_473 = arith.subf %sqrt3A_466, %max3A_469 : vector<8x1024xf32>
    %add3A_474 = arith.addf %sub3A_473, %min3A_472 : vector<8x1024xf32>
    %mul3A_475 = arith.constant 2.000000e+00 : f32
    %mul3A_476 = vector.broadcast %mul3A_475 : f32 to vector<8x1024xf32>
    %mul3A_477 = arith.mulf %mul3A_476, %min3A_472 : vector<8x1024xf32>
    %div3A_478 = arith.divf %add3A_474, %mul3A_477 : vector<8x1024xf32>
    %slice3A_479 = vector.extract_strided_slice %div3A_478 {offsets = [0, 0], sizes = [1, 1024], strides = [1, 1]} : vector<8x1024xf32> to vector<1x1024xf32>
    %broadcast_in_dim3A_480 = vector.shape_cast %slice3A_479 : vector<1x1024xf32> to vector<1x1024xf32>
    %broadcast_in_dim3A_481 = vector.broadcast %broadcast_in_dim3A_480 : vector<1x1024xf32> to vector<64x1024xf32>
    %add3A_482 = arith.addf %add3A_156, %add3A_129 : vector<64x1024xf32>
    %mul3A_483 = arith.mulf %broadcast_in_dim3A_53, %broadcast_in_dim3A_481 : vector<64x1024xf32>
    %add3A_484 = arith.addf %add3A_482, %mul3A_483 : vector<64x1024xf32>
    %swap3A_485 = arith.constant 14 : index
    %swap3A_486 = arith.constant 0 : index
    %swap3A_487 = arith.constant 0 : index
    %swap3A_488 = vector.load %arg10[%swap3A_485, %swap3A_486, %swap3A_487] : memref<56x64x1024xf32, #tpu.memory_space<vmem>>, vector<1x64x1024xf32>
    %swap3A_489 = vector.shape_cast %swap3A_488 : vector<1x64x1024xf32> to vector<64x1024xf32>
    %swap3A_490 = vector.shape_cast %add3A_484 : vector<64x1024xf32> to vector<1x64x1024xf32>
    tpu.vector_store %arg10[%swap3A_485, %swap3A_486, %swap3A_487], %swap3A_490 {strides = array<i32>} : memref<56x64x1024xf32, #tpu.memory_space<vmem>>, vector<1x64x1024xf32>,
    %slice3A_491 = vector.extract_strided_slice %div3A_478 {offsets = [1, 0], sizes = [1, 1024], strides = [1, 1]} : vector<8x1024xf32> to vector<1x1024xf32>
    %broadcast_in_dim3A_492 = vector.shape_cast %slice3A_491 : vector<1x1024xf32> to vector<1x1024xf32>
    %broadcast_in_dim3A_493 = vector.broadcast %broadcast_in_dim3A_492 : vector<1x1024xf32> to vector<64x1024xf32>
    %add3A_494 = arith.addf %add3A_156, %add3A_144 : vector<64x1024xf32>
    %mul3A_495 = arith.mulf %broadcast_in_dim3A_53, %broadcast_in_dim3A_493 : vector<64x1024xf32>
    %add3A_496 = arith.addf %add3A_494, %mul3A_495 : vector<64x1024xf32>
    %swap3A_497 = arith.constant 15 : index
    %swap3A_498 = arith.constant 0 : index
    %swap3A_499 = arith.constant 0 : index
    %swap3A_500 = vector.load %arg10[%swap3A_497, %swap3A_498, %swap3A_499] : memref<56x64x1024xf32, #tpu.memory_space<vmem>>, vector<1x64x1024xf32>
    %swap3A_501 = vector.shape_cast %swap3A_500 : vector<1x64x1024xf32> to vector<64x1024xf32>
    %swap3A_502 = vector.shape_cast %add3A_496 : vector<64x1024xf32> to vector<1x64x1024xf32>
    tpu.vector_store %arg10[%swap3A_497, %swap3A_498, %swap3A_499], %swap3A_502 {strides = array<i32>} : memref<56x64x1024xf32, #tpu.memory_space<vmem>>, vector<1x64x1024xf32>,
    %slice3A_503 = vector.extract_strided_slice %div3A_478 {offsets = [3, 0], sizes = [1, 1024], strides = [1, 1]} : vector<8x1024xf32> to vector<1x1024xf32>
    %broadcast_in_dim3A_504 = vector.shape_cast %slice3A_503 : vector<1x1024xf32> to vector<1x1024xf32>
    %broadcast_in_dim3A_505 = vector.broadcast %broadcast_in_dim3A_504 : vector<1x1024xf32> to vector<64x1024xf32>
    %add3A_506 = arith.addf %add3A_156, %add3A_174 : vector<64x1024xf32>
    %mul3A_507 = arith.mulf %broadcast_in_dim3A_53, %broadcast_in_dim3A_505 : vector<64x1024xf32>
    %add3A_508 = arith.addf %add3A_506, %mul3A_507 : vector<64x1024xf32>
    %swap3A_509 = arith.constant 16 : index
    %swap3A_510 = arith.constant 0 : index
    %swap3A_511 = arith.constant 0 : index
    %swap3A_512 = vector.load %arg10[%swap3A_509, %swap3A_510, %swap3A_511] : memref<56x64x1024xf32, #tpu.memory_space<vmem>>, vector<1x64x1024xf32>
    %swap3A_513 = vector.shape_cast %swap3A_512 : vector<1x64x1024xf32> to vector<64x1024xf32>
    %swap3A_514 = vector.shape_cast %add3A_508 : vector<64x1024xf32> to vector<1x64x1024xf32>
    tpu.vector_store %arg10[%swap3A_509, %swap3A_510, %swap3A_511], %swap3A_514 {strides = array<i32>} : memref<56x64x1024xf32, #tpu.memory_space<vmem>>, vector<1x64x1024xf32>,
    %slice3A_515 = vector.extract_strided_slice %div3A_478 {offsets = [4, 0], sizes = [1, 1024], strides = [1, 1]} : vector<8x1024xf32> to vector<1x1024xf32>
    %broadcast_in_dim3A_516 = vector.shape_cast %slice3A_515 : vector<1x1024xf32> to vector<1x1024xf32>
    %broadcast_in_dim3A_517 = vector.broadcast %broadcast_in_dim3A_516 : vector<1x1024xf32> to vector<64x1024xf32>
    %add3A_518 = arith.addf %add3A_156, %add3A_189 : vector<64x1024xf32>
    %mul3A_519 = arith.mulf %broadcast_in_dim3A_53, %broadcast_in_dim3A_517 : vector<64x1024xf32>
    %add3A_520 = arith.addf %add3A_518, %mul3A_519 : vector<64x1024xf32>
    %swap3A_521 = arith.constant 17 : index
    %swap3A_522 = arith.constant 0 : index
    %swap3A_523 = arith.constant 0 : index
    %swap3A_524 = vector.load %arg10[%swap3A_521, %swap3A_522, %swap3A_523] : memref<56x64x1024xf32, #tpu.memory_space<vmem>>, vector<1x64x1024xf32>
    %swap3A_525 = vector.shape_cast %swap3A_524 : vector<1x64x1024xf32> to vector<64x1024xf32>
    %swap3A_526 = vector.shape_cast %add3A_520 : vector<64x1024xf32> to vector<1x64x1024xf32>
    tpu.vector_store %arg10[%swap3A_521, %swap3A_522, %swap3A_523], %swap3A_526 {strides = array<i32>} : memref<56x64x1024xf32, #tpu.memory_space<vmem>>, vector<1x64x1024xf32>,
    %slice3A_527 = vector.extract_strided_slice %div3A_478 {offsets = [5, 0], sizes = [1, 1024], strides = [1, 1]} : vector<8x1024xf32> to vector<1x1024xf32>
    %broadcast_in_dim3A_528 = vector.shape_cast %slice3A_527 : vector<1x1024xf32> to vector<1x1024xf32>
    %broadcast_in_dim3A_529 = vector.broadcast %broadcast_in_dim3A_528 : vector<1x1024xf32> to vector<64x1024xf32>
    %add3A_530 = arith.addf %add3A_156, %add3A_204 : vector<64x1024xf32>
    %mul3A_531 = arith.mulf %broadcast_in_dim3A_53, %broadcast_in_dim3A_529 : vector<64x1024xf32>
    %add3A_532 = arith.addf %add3A_530, %mul3A_531 : vector<64x1024xf32>
    %swap3A_533 = arith.constant 18 : index
    %swap3A_534 = arith.constant 0 : index
    %swap3A_535 = arith.constant 0 : index
    %swap3A_536 = vector.load %arg10[%swap3A_533, %swap3A_534, %swap3A_535] : memref<56x64x1024xf32, #tpu.memory_space<vmem>>, vector<1x64x1024xf32>
    %swap3A_537 = vector.shape_cast %swap3A_536 : vector<1x64x1024xf32> to vector<64x1024xf32>
    %swap3A_538 = vector.shape_cast %add3A_532 : vector<64x1024xf32> to vector<1x64x1024xf32>
    tpu.vector_store %arg10[%swap3A_533, %swap3A_534, %swap3A_535], %swap3A_538 {strides = array<i32>} : memref<56x64x1024xf32, #tpu.memory_space<vmem>>, vector<1x64x1024xf32>,
    %slice3A_539 = vector.extract_strided_slice %div3A_478 {offsets = [6, 0], sizes = [1, 1024], strides = [1, 1]} : vector<8x1024xf32> to vector<1x1024xf32>
    %broadcast_in_dim3A_540 = vector.shape_cast %slice3A_539 : vector<1x1024xf32> to vector<1x1024xf32>
    %broadcast_in_dim3A_541 = vector.broadcast %broadcast_in_dim3A_540 : vector<1x1024xf32> to vector<64x1024xf32>
    %add3A_542 = arith.addf %add3A_156, %add3A_219 : vector<64x1024xf32>
    %mul3A_543 = arith.mulf %broadcast_in_dim3A_53, %broadcast_in_dim3A_541 : vector<64x1024xf32>
    %add3A_544 = arith.addf %add3A_542, %mul3A_543 : vector<64x1024xf32>
    %swap3A_545 = arith.constant 19 : index
    %swap3A_546 = arith.constant 0 : index
    %swap3A_547 = arith.constant 0 : index
    %swap3A_548 = vector.load %arg10[%swap3A_545, %swap3A_546, %swap3A_547] : memref<56x64x1024xf32, #tpu.memory_space<vmem>>, vector<1x64x1024xf32>
    %swap3A_549 = vector.shape_cast %swap3A_548 : vector<1x64x1024xf32> to vector<64x1024xf32>
    %swap3A_550 = vector.shape_cast %add3A_544 : vector<64x1024xf32> to vector<1x64x1024xf32>
    tpu.vector_store %arg10[%swap3A_545, %swap3A_546, %swap3A_547], %swap3A_550 {strides = array<i32>} : memref<56x64x1024xf32, #tpu.memory_space<vmem>>, vector<1x64x1024xf32>,
    %slice3A_551 = vector.extract_strided_slice %div3A_478 {offsets = [7, 0], sizes = [1, 1024], strides = [1, 1]} : vector<8x1024xf32> to vector<1x1024xf32>
    %broadcast_in_dim3A_552 = vector.shape_cast %slice3A_551 : vector<1x1024xf32> to vector<1x1024xf32>
    %broadcast_in_dim3A_553 = vector.broadcast %broadcast_in_dim3A_552 : vector<1x1024xf32> to vector<64x1024xf32>
    %add3A_554 = arith.addf %add3A_156, %add3A_234 : vector<64x1024xf32>
    %mul3A_555 = arith.mulf %broadcast_in_dim3A_53, %broadcast_in_dim3A_553 : vector<64x1024xf32>
    %add3A_556 = arith.addf %add3A_554, %mul3A_555 : vector<64x1024xf32>
    %swap3A_557 = arith.constant 20 : index
    %swap3A_558 = arith.constant 0 : index
    %swap3A_559 = arith.constant 0 : index
    %swap3A_560 = vector.load %arg10[%swap3A_557, %swap3A_558, %swap3A_559] : memref<56x64x1024xf32, #tpu.memory_space<vmem>>, vector<1x64x1024xf32>
    %swap3A_561 = vector.shape_cast %swap3A_560 : vector<1x64x1024xf32> to vector<64x1024xf32>
    %swap3A_562 = vector.shape_cast %add3A_556 : vector<64x1024xf32> to vector<1x64x1024xf32>
    tpu.vector_store %arg10[%swap3A_557, %swap3A_558, %swap3A_559], %swap3A_562 {strides = array<i32>} : memref<56x64x1024xf32, #tpu.memory_space<vmem>>, vector<1x64x1024xf32>,
    %slice3A_563 = vector.extract_strided_slice %reshape3A {offsets = [3, 0], sizes = [1, 1024], strides = [1, 1]} : vector<8x1024xf32> to vector<1x1024xf32>
    %sub3A_564 = vector.broadcast %slice3A_563 : vector<1x1024xf32> to vector<8x1024xf32>
    %sub3A_565 = arith.subf %sub3A_564, %reshape3A : vector<8x1024xf32>
    %slice3A_566 = vector.extract_strided_slice %reshape3A_7 {offsets = [3, 0], sizes = [1, 1024], strides = [1, 1]} : vector<8x1024xf32> to vector<1x1024xf32>
    %sub3A_567 = vector.broadcast %slice3A_566 : vector<1x1024xf32> to vector<8x1024xf32>
    %sub3A_568 = arith.subf %sub3A_567, %reshape3A_7 : vector<8x1024xf32>
    %slice3A_569 = vector.extract_strided_slice %reshape3A_12 {offsets = [3, 0], sizes = [1, 1024], strides = [1, 1]} : vector<8x1024xf32> to vector<1x1024xf32>
    %sub3A_570 = vector.broadcast %slice3A_569 : vector<1x1024xf32> to vector<8x1024xf32>
    %sub3A_571 = arith.subf %sub3A_570, %reshape3A_12 : vector<8x1024xf32>
    %mul3A_572 = arith.mulf %sub3A_565, %sub3A_565 : vector<8x1024xf32>
    %mul3A_573 = arith.mulf %sub3A_568, %sub3A_568 : vector<8x1024xf32>
    %add3A_574 = arith.addf %mul3A_572, %mul3A_573 : vector<8x1024xf32>
    %mul3A_575 = arith.mulf %sub3A_571, %sub3A_571 : vector<8x1024xf32>
    %add3A_576 = arith.addf %add3A_574, %mul3A_575 : vector<8x1024xf32>
    %sqrt3A_577 = math.sqrt %add3A_576 : vector<8x1024xf32>
    %slice3A_578 = vector.extract_strided_slice %get3A_15 {offsets = [3, 0], sizes = [1, 1024], strides = [1, 1]} : vector<8x1024xf32> to vector<1x1024xf32>
    %max3A_579 = vector.broadcast %slice3A_578 : vector<1x1024xf32> to vector<8x1024xf32>
    %max3A_580 = arith.maximumf %max3A_579, %get3A_15 : vector<8x1024xf32>
    %slice3A_581 = vector.extract_strided_slice %get3A_15 {offsets = [3, 0], sizes = [1, 1024], strides = [1, 1]} : vector<8x1024xf32> to vector<1x1024xf32>
    %min3A_582 = vector.broadcast %slice3A_581 : vector<1x1024xf32> to vector<8x1024xf32>
    %min3A_583 = arith.minimumf %min3A_582, %get3A_15 : vector<8x1024xf32>
    %sub3A_584 = arith.subf %sqrt3A_577, %max3A_580 : vector<8x1024xf32>
    %add3A_585 = arith.addf %sub3A_584, %min3A_583 : vector<8x1024xf32>
    %mul3A_586 = arith.constant 2.000000e+00 : f32
    %mul3A_587 = vector.broadcast %mul3A_586 : f32 to vector<8x1024xf32>
    %mul3A_588 = arith.mulf %mul3A_587, %min3A_583 : vector<8x1024xf32>
    %div3A_589 = arith.divf %add3A_585, %mul3A_588 : vector<8x1024xf32>
    %slice3A_590 = vector.extract_strided_slice %div3A_589 {offsets = [0, 0], sizes = [1, 1024], strides = [1, 1]} : vector<8x1024xf32> to vector<1x1024xf32>
    %broadcast_in_dim3A_591 = vector.shape_cast %slice3A_590 : vector<1x1024xf32> to vector<1x1024xf32>
    %broadcast_in_dim3A_592 = vector.broadcast %broadcast_in_dim3A_591 : vector<1x1024xf32> to vector<64x1024xf32>
    %add3A_593 = arith.addf %add3A_171, %add3A_129 : vector<64x1024xf32>
    %mul3A_594 = arith.mulf %broadcast_in_dim3A_53, %broadcast_in_dim3A_592 : vector<64x1024xf32>
    %add3A_595 = arith.addf %add3A_593, %mul3A_594 : vector<64x1024xf32>
    %swap3A_596 = arith.constant 21 : index
    %swap3A_597 = arith.constant 0 : index
    %swap3A_598 = arith.constant 0 : index
    %swap3A_599 = vector.load %arg10[%swap3A_596, %swap3A_597, %swap3A_598] : memref<56x64x1024xf32, #tpu.memory_space<vmem>>, vector<1x64x1024xf32>
    %swap3A_600 = vector.shape_cast %swap3A_599 : vector<1x64x1024xf32> to vector<64x1024xf32>
    %swap3A_601 = vector.shape_cast %add3A_595 : vector<64x1024xf32> to vector<1x64x1024xf32>
    tpu.vector_store %arg10[%swap3A_596, %swap3A_597, %swap3A_598], %swap3A_601 {strides = array<i32>} : memref<56x64x1024xf32, #tpu.memory_space<vmem>>, vector<1x64x1024xf32>,
    %slice3A_602 = vector.extract_strided_slice %div3A_589 {offsets = [1, 0], sizes = [1, 1024], strides = [1, 1]} : vector<8x1024xf32> to vector<1x1024xf32>
    %broadcast_in_dim3A_603 = vector.shape_cast %slice3A_602 : vector<1x1024xf32> to vector<1x1024xf32>
    %broadcast_in_dim3A_604 = vector.broadcast %broadcast_in_dim3A_603 : vector<1x1024xf32> to vector<64x1024xf32>
    %add3A_605 = arith.addf %add3A_171, %add3A_144 : vector<64x1024xf32>
    %mul3A_606 = arith.mulf %broadcast_in_dim3A_53, %broadcast_in_dim3A_604 : vector<64x1024xf32>
    %add3A_607 = arith.addf %add3A_605, %mul3A_606 : vector<64x1024xf32>
    %swap3A_608 = arith.constant 22 : index
    %swap3A_609 = arith.constant 0 : index
    %swap3A_610 = arith.constant 0 : index
    %swap3A_611 = vector.load %arg10[%swap3A_608, %swap3A_609, %swap3A_610] : memref<56x64x1024xf32, #tpu.memory_space<vmem>>, vector<1x64x1024xf32>
    %swap3A_612 = vector.shape_cast %swap3A_611 : vector<1x64x1024xf32> to vector<64x1024xf32>
    %swap3A_613 = vector.shape_cast %add3A_607 : vector<64x1024xf32> to vector<1x64x1024xf32>
    tpu.vector_store %arg10[%swap3A_608, %swap3A_609, %swap3A_610], %swap3A_613 {strides = array<i32>} : memref<56x64x1024xf32, #tpu.memory_space<vmem>>, vector<1x64x1024xf32>,
    %slice3A_614 = vector.extract_strided_slice %div3A_589 {offsets = [2, 0], sizes = [1, 1024], strides = [1, 1]} : vector<8x1024xf32> to vector<1x1024xf32>
    %broadcast_in_dim3A_615 = vector.shape_cast %slice3A_614 : vector<1x1024xf32> to vector<1x1024xf32>
    %broadcast_in_dim3A_616 = vector.broadcast %broadcast_in_dim3A_615 : vector<1x1024xf32> to vector<64x1024xf32>
    %add3A_617 = arith.addf %add3A_171, %add3A_159 : vector<64x1024xf32>
    %mul3A_618 = arith.mulf %broadcast_in_dim3A_53, %broadcast_in_dim3A_616 : vector<64x1024xf32>
    %add3A_619 = arith.addf %add3A_617, %mul3A_618 : vector<64x1024xf32>
    %swap3A_620 = arith.constant 23 : index
    %swap3A_621 = arith.constant 0 : index
    %swap3A_622 = arith.constant 0 : index
    %swap3A_623 = vector.load %arg10[%swap3A_620, %swap3A_621, %swap3A_622] : memref<56x64x1024xf32, #tpu.memory_space<vmem>>, vector<1x64x1024xf32>
    %swap3A_624 = vector.shape_cast %swap3A_623 : vector<1x64x1024xf32> to vector<64x1024xf32>
    %swap3A_625 = vector.shape_cast %add3A_619 : vector<64x1024xf32> to vector<1x64x1024xf32>
    tpu.vector_store %arg10[%swap3A_620, %swap3A_621, %swap3A_622], %swap3A_625 {strides = array<i32>} : memref<56x64x1024xf32, #tpu.memory_space<vmem>>, vector<1x64x1024xf32>,
    %slice3A_626 = vector.extract_strided_slice %div3A_589 {offsets = [4, 0], sizes = [1, 1024], strides = [1, 1]} : vector<8x1024xf32> to vector<1x1024xf32>
    %broadcast_in_dim3A_627 = vector.shape_cast %slice3A_626 : vector<1x1024xf32> to vector<1x1024xf32>
    %broadcast_in_dim3A_628 = vector.broadcast %broadcast_in_dim3A_627 : vector<1x1024xf32> to vector<64x1024xf32>
    %add3A_629 = arith.addf %add3A_171, %add3A_189 : vector<64x1024xf32>
    %mul3A_630 = arith.mulf %broadcast_in_dim3A_53, %broadcast_in_dim3A_628 : vector<64x1024xf32>
    %add3A_631 = arith.addf %add3A_629, %mul3A_630 : vector<64x1024xf32>
    %swap3A_632 = arith.constant 24 : index
    %swap3A_633 = arith.constant 0 : index
    %swap3A_634 = arith.constant 0 : index
    %swap3A_635 = vector.load %arg10[%swap3A_632, %swap3A_633, %swap3A_634] : memref<56x64x1024xf32, #tpu.memory_space<vmem>>, vector<1x64x1024xf32>
    %swap3A_636 = vector.shape_cast %swap3A_635 : vector<1x64x1024xf32> to vector<64x1024xf32>
    %swap3A_637 = vector.shape_cast %add3A_631 : vector<64x1024xf32> to vector<1x64x1024xf32>
    tpu.vector_store %arg10[%swap3A_632, %swap3A_633, %swap3A_634], %swap3A_637 {strides = array<i32>} : memref<56x64x1024xf32, #tpu.memory_space<vmem>>, vector<1x64x1024xf32>,
    %slice3A_638 = vector.extract_strided_slice %div3A_589 {offsets = [5, 0], sizes = [1, 1024], strides = [1, 1]} : vector<8x1024xf32> to vector<1x1024xf32>
    %broadcast_in_dim3A_639 = vector.shape_cast %slice3A_638 : vector<1x1024xf32> to vector<1x1024xf32>
    %broadcast_in_dim3A_640 = vector.broadcast %broadcast_in_dim3A_639 : vector<1x1024xf32> to vector<64x1024xf32>
    %add3A_641 = arith.addf %add3A_171, %add3A_204 : vector<64x1024xf32>
    %mul3A_642 = arith.mulf %broadcast_in_dim3A_53, %broadcast_in_dim3A_640 : vector<64x1024xf32>
    %add3A_643 = arith.addf %add3A_641, %mul3A_642 : vector<64x1024xf32>
    %swap3A_644 = arith.constant 25 : index
    %swap3A_645 = arith.constant 0 : index
    %swap3A_646 = arith.constant 0 : index
    %swap3A_647 = vector.load %arg10[%swap3A_644, %swap3A_645, %swap3A_646] : memref<56x64x1024xf32, #tpu.memory_space<vmem>>, vector<1x64x1024xf32>
    %swap3A_648 = vector.shape_cast %swap3A_647 : vector<1x64x1024xf32> to vector<64x1024xf32>
    %swap3A_649 = vector.shape_cast %add3A_643 : vector<64x1024xf32> to vector<1x64x1024xf32>
    tpu.vector_store %arg10[%swap3A_644, %swap3A_645, %swap3A_646], %swap3A_649 {strides = array<i32>} : memref<56x64x1024xf32, #tpu.memory_space<vmem>>, vector<1x64x1024xf32>,
    %slice3A_650 = vector.extract_strided_slice %div3A_589 {offsets = [6, 0], sizes = [1, 1024], strides = [1, 1]} : vector<8x1024xf32> to vector<1x1024xf32>
    %broadcast_in_dim3A_651 = vector.shape_cast %slice3A_650 : vector<1x1024xf32> to vector<1x1024xf32>
    %broadcast_in_dim3A_652 = vector.broadcast %broadcast_in_dim3A_651 : vector<1x1024xf32> to vector<64x1024xf32>
    %add3A_653 = arith.addf %add3A_171, %add3A_219 : vector<64x1024xf32>
    %mul3A_654 = arith.mulf %broadcast_in_dim3A_53, %broadcast_in_dim3A_652 : vector<64x1024xf32>
    %add3A_655 = arith.addf %add3A_653, %mul3A_654 : vector<64x1024xf32>
    %swap3A_656 = arith.constant 26 : index
    %swap3A_657 = arith.constant 0 : index
    %swap3A_658 = arith.constant 0 : index
    %swap3A_659 = vector.load %arg10[%swap3A_656, %swap3A_657, %swap3A_658] : memref<56x64x1024xf32, #tpu.memory_space<vmem>>, vector<1x64x1024xf32>
    %swap3A_660 = vector.shape_cast %swap3A_659 : vector<1x64x1024xf32> to vector<64x1024xf32>
    %swap3A_661 = vector.shape_cast %add3A_655 : vector<64x1024xf32> to vector<1x64x1024xf32>
    tpu.vector_store %arg10[%swap3A_656, %swap3A_657, %swap3A_658], %swap3A_661 {strides = array<i32>} : memref<56x64x1024xf32, #tpu.memory_space<vmem>>, vector<1x64x1024xf32>,
    %slice3A_662 = vector.extract_strided_slice %div3A_589 {offsets = [7, 0], sizes = [1, 1024], strides = [1, 1]} : vector<8x1024xf32> to vector<1x1024xf32>
    %broadcast_in_dim3A_663 = vector.shape_cast %slice3A_662 : vector<1x1024xf32> to vector<1x1024xf32>
    %broadcast_in_dim3A_664 = vector.broadcast %broadcast_in_dim3A_663 : vector<1x1024xf32> to vector<64x1024xf32>
    %add3A_665 = arith.addf %add3A_171, %add3A_234 : vector<64x1024xf32>
    %mul3A_666 = arith.mulf %broadcast_in_dim3A_53, %broadcast_in_dim3A_664 : vector<64x1024xf32>
    %add3A_667 = arith.addf %add3A_665, %mul3A_666 : vector<64x1024xf32>
    %swap3A_668 = arith.constant 27 : index
    %swap3A_669 = arith.constant 0 : index
    %swap3A_670 = arith.constant 0 : index
    %swap3A_671 = vector.load %arg10[%swap3A_668, %swap3A_669, %swap3A_670] : memref<56x64x1024xf32, #tpu.memory_space<vmem>>, vector<1x64x1024xf32>
    %swap3A_672 = vector.shape_cast %swap3A_671 : vector<1x64x1024xf32> to vector<64x1024xf32>
    %swap3A_673 = vector.shape_cast %add3A_667 : vector<64x1024xf32> to vector<1x64x1024xf32>
    tpu.vector_store %arg10[%swap3A_668, %swap3A_669, %swap3A_670], %swap3A_673 {strides = array<i32>} : memref<56x64x1024xf32, #tpu.memory_space<vmem>>, vector<1x64x1024xf32>,
    %slice3A_674 = vector.extract_strided_slice %reshape3A {offsets = [4, 0], sizes = [1, 1024], strides = [1, 1]} : vector<8x1024xf32> to vector<1x1024xf32>
    %sub3A_675 = vector.broadcast %slice3A_674 : vector<1x1024xf32> to vector<8x1024xf32>
    %sub3A_676 = arith.subf %sub3A_675, %reshape3A : vector<8x1024xf32>
    %slice3A_677 = vector.extract_strided_slice %reshape3A_7 {offsets = [4, 0], sizes = [1, 1024], strides = [1, 1]} : vector<8x1024xf32> to vector<1x1024xf32>
    %sub3A_678 = vector.broadcast %slice3A_677 : vector<1x1024xf32> to vector<8x1024xf32>
    %sub3A_679 = arith.subf %sub3A_678, %reshape3A_7 : vector<8x1024xf32>
    %slice3A_680 = vector.extract_strided_slice %reshape3A_12 {offsets = [4, 0], sizes = [1, 1024], strides = [1, 1]} : vector<8x1024xf32> to vector<1x1024xf32>
    %sub3A_681 = vector.broadcast %slice3A_680 : vector<1x1024xf32> to vector<8x1024xf32>
    %sub3A_682 = arith.subf %sub3A_681, %reshape3A_12 : vector<8x1024xf32>
    %mul3A_683 = arith.mulf %sub3A_676, %sub3A_676 : vector<8x1024xf32>
    %mul3A_684 = arith.mulf %sub3A_679, %sub3A_679 : vector<8x1024xf32>
    %add3A_685 = arith.addf %mul3A_683, %mul3A_684 : vector<8x1024xf32>
    %mul3A_686 = arith.mulf %sub3A_682, %sub3A_682 : vector<8x1024xf32>
    %add3A_687 = arith.addf %add3A_685, %mul3A_686 : vector<8x1024xf32>
    %sqrt3A_688 = math.sqrt %add3A_687 : vector<8x1024xf32>
    %slice3A_689 = vector.extract_strided_slice %get3A_15 {offsets = [4, 0], sizes = [1, 1024], strides = [1, 1]} : vector<8x1024xf32> to vector<1x1024xf32>
    %max3A_690 = vector.broadcast %slice3A_689 : vector<1x1024xf32> to vector<8x1024xf32>
    %max3A_691 = arith.maximumf %max3A_690, %get3A_15 : vector<8x1024xf32>
    %slice3A_692 = vector.extract_strided_slice %get3A_15 {offsets = [4, 0], sizes = [1, 1024], strides = [1, 1]} : vector<8x1024xf32> to vector<1x1024xf32>
    %min3A_693 = vector.broadcast %slice3A_692 : vector<1x1024xf32> to vector<8x1024xf32>
    %min3A_694 = arith.minimumf %min3A_693, %get3A_15 : vector<8x1024xf32>
    %sub3A_695 = arith.subf %sqrt3A_688, %max3A_691 : vector<8x1024xf32>
    %add3A_696 = arith.addf %sub3A_695, %min3A_694 : vector<8x1024xf32>
    %mul3A_697 = arith.constant 2.000000e+00 : f32
    %mul3A_698 = vector.broadcast %mul3A_697 : f32 to vector<8x1024xf32>
    %mul3A_699 = arith.mulf %mul3A_698, %min3A_694 : vector<8x1024xf32>
    %div3A_700 = arith.divf %add3A_696, %mul3A_699 : vector<8x1024xf32>
    %slice3A_701 = vector.extract_strided_slice %div3A_700 {offsets = [0, 0], sizes = [1, 1024], strides = [1, 1]} : vector<8x1024xf32> to vector<1x1024xf32>
    %broadcast_in_dim3A_702 = vector.shape_cast %slice3A_701 : vector<1x1024xf32> to vector<1x1024xf32>
    %broadcast_in_dim3A_703 = vector.broadcast %broadcast_in_dim3A_702 : vector<1x1024xf32> to vector<64x1024xf32>
    %add3A_704 = arith.addf %add3A_186, %add3A_129 : vector<64x1024xf32>
    %mul3A_705 = arith.mulf %broadcast_in_dim3A_53, %broadcast_in_dim3A_703 : vector<64x1024xf32>
    %add3A_706 = arith.addf %add3A_704, %mul3A_705 : vector<64x1024xf32>
    %swap3A_707 = arith.constant 28 : index
    %swap3A_708 = arith.constant 0 : index
    %swap3A_709 = arith.constant 0 : index
    %swap3A_710 = vector.load %arg10[%swap3A_707, %swap3A_708, %swap3A_709] : memref<56x64x1024xf32, #tpu.memory_space<vmem>>, vector<1x64x1024xf32>
    %swap3A_711 = vector.shape_cast %swap3A_710 : vector<1x64x1024xf32> to vector<64x1024xf32>
    %swap3A_712 = vector.shape_cast %add3A_706 : vector<64x1024xf32> to vector<1x64x1024xf32>
    tpu.vector_store %arg10[%swap3A_707, %swap3A_708, %swap3A_709], %swap3A_712 {strides = array<i32>} : memref<56x64x1024xf32, #tpu.memory_space<vmem>>, vector<1x64x1024xf32>,
    %slice3A_713 = vector.extract_strided_slice %div3A_700 {offsets = [1, 0], sizes = [1, 1024], strides = [1, 1]} : vector<8x1024xf32> to vector<1x1024xf32>
    %broadcast_in_dim3A_714 = vector.shape_cast %slice3A_713 : vector<1x1024xf32> to vector<1x1024xf32>
    %broadcast_in_dim3A_715 = vector.broadcast %broadcast_in_dim3A_714 : vector<1x1024xf32> to vector<64x1024xf32>
    %add3A_716 = arith.addf %add3A_186, %add3A_144 : vector<64x1024xf32>
    %mul3A_717 = arith.mulf %broadcast_in_dim3A_53, %broadcast_in_dim3A_715 : vector<64x1024xf32>
    %add3A_718 = arith.addf %add3A_716, %mul3A_717 : vector<64x1024xf32>
    %swap3A_719 = arith.constant 29 : index
    %swap3A_720 = arith.constant 0 : index
    %swap3A_721 = arith.constant 0 : index
    %swap3A_722 = vector.load %arg10[%swap3A_719, %swap3A_720, %swap3A_721] : memref<56x64x1024xf32, #tpu.memory_space<vmem>>, vector<1x64x1024xf32>
    %swap3A_723 = vector.shape_cast %swap3A_722 : vector<1x64x1024xf32> to vector<64x1024xf32>
    %swap3A_724 = vector.shape_cast %add3A_718 : vector<64x1024xf32> to vector<1x64x1024xf32>
    tpu.vector_store %arg10[%swap3A_719, %swap3A_720, %swap3A_721], %swap3A_724 {strides = array<i32>} : memref<56x64x1024xf32, #tpu.memory_space<vmem>>, vector<1x64x1024xf32>,
    %slice3A_725 = vector.extract_strided_slice %div3A_700 {offsets = [2, 0], sizes = [1, 1024], strides = [1, 1]} : vector<8x1024xf32> to vector<1x1024xf32>
    %broadcast_in_dim3A_726 = vector.shape_cast %slice3A_725 : vector<1x1024xf32> to vector<1x1024xf32>
    %broadcast_in_dim3A_727 = vector.broadcast %broadcast_in_dim3A_726 : vector<1x1024xf32> to vector<64x1024xf32>
    %add3A_728 = arith.addf %add3A_186, %add3A_159 : vector<64x1024xf32>
    %mul3A_729 = arith.mulf %broadcast_in_dim3A_53, %broadcast_in_dim3A_727 : vector<64x1024xf32>
    %add3A_730 = arith.addf %add3A_728, %mul3A_729 : vector<64x1024xf32>
    %swap3A_731 = arith.constant 30 : index
    %swap3A_732 = arith.constant 0 : index
    %swap3A_733 = arith.constant 0 : index
    %swap3A_734 = vector.load %arg10[%swap3A_731, %swap3A_732, %swap3A_733] : memref<56x64x1024xf32, #tpu.memory_space<vmem>>, vector<1x64x1024xf32>
    %swap3A_735 = vector.shape_cast %swap3A_734 : vector<1x64x1024xf32> to vector<64x1024xf32>
    %swap3A_736 = vector.shape_cast %add3A_730 : vector<64x1024xf32> to vector<1x64x1024xf32>
    tpu.vector_store %arg10[%swap3A_731, %swap3A_732, %swap3A_733], %swap3A_736 {strides = array<i32>} : memref<56x64x1024xf32, #tpu.memory_space<vmem>>, vector<1x64x1024xf32>,
    %slice3A_737 = vector.extract_strided_slice %div3A_700 {offsets = [3, 0], sizes = [1, 1024], strides = [1, 1]} : vector<8x1024xf32> to vector<1x1024xf32>
    %broadcast_in_dim3A_738 = vector.shape_cast %slice3A_737 : vector<1x1024xf32> to vector<1x1024xf32>
    %broadcast_in_dim3A_739 = vector.broadcast %broadcast_in_dim3A_738 : vector<1x1024xf32> to vector<64x1024xf32>
    %add3A_740 = arith.addf %add3A_186, %add3A_174 : vector<64x1024xf32>
    %mul3A_741 = arith.mulf %broadcast_in_dim3A_53, %broadcast_in_dim3A_739 : vector<64x1024xf32>
    %add3A_742 = arith.addf %add3A_740, %mul3A_741 : vector<64x1024xf32>
    %swap3A_743 = arith.constant 31 : index
    %swap3A_744 = arith.constant 0 : index
    %swap3A_745 = arith.constant 0 : index
    %swap3A_746 = vector.load %arg10[%swap3A_743, %swap3A_744, %swap3A_745] : memref<56x64x1024xf32, #tpu.memory_space<vmem>>, vector<1x64x1024xf32>
    %swap3A_747 = vector.shape_cast %swap3A_746 : vector<1x64x1024xf32> to vector<64x1024xf32>
    %swap3A_748 = vector.shape_cast %add3A_742 : vector<64x1024xf32> to vector<1x64x1024xf32>
    tpu.vector_store %arg10[%swap3A_743, %swap3A_744, %swap3A_745], %swap3A_748 {strides = array<i32>} : memref<56x64x1024xf32, #tpu.memory_space<vmem>>, vector<1x64x1024xf32>,
    %slice3A_749 = vector.extract_strided_slice %div3A_700 {offsets = [5, 0], sizes = [1, 1024], strides = [1, 1]} : vector<8x1024xf32> to vector<1x1024xf32>
    %broadcast_in_dim3A_750 = vector.shape_cast %slice3A_749 : vector<1x1024xf32> to vector<1x1024xf32>
    %broadcast_in_dim3A_751 = vector.broadcast %broadcast_in_dim3A_750 : vector<1x1024xf32> to vector<64x1024xf32>
    %add3A_752 = arith.addf %add3A_186, %add3A_204 : vector<64x1024xf32>
    %mul3A_753 = arith.mulf %broadcast_in_dim3A_53, %broadcast_in_dim3A_751 : vector<64x1024xf32>
    %add3A_754 = arith.addf %add3A_752, %mul3A_753 : vector<64x1024xf32>
    %swap3A_755 = arith.constant 32 : index
    %swap3A_756 = arith.constant 0 : index
    %swap3A_757 = arith.constant 0 : index
    %swap3A_758 = vector.load %arg10[%swap3A_755, %swap3A_756, %swap3A_757] : memref<56x64x1024xf32, #tpu.memory_space<vmem>>, vector<1x64x1024xf32>
    %swap3A_759 = vector.shape_cast %swap3A_758 : vector<1x64x1024xf32> to vector<64x1024xf32>
    %swap3A_760 = vector.shape_cast %add3A_754 : vector<64x1024xf32> to vector<1x64x1024xf32>
    tpu.vector_store %arg10[%swap3A_755, %swap3A_756, %swap3A_757], %swap3A_760 {strides = array<i32>} : memref<56x64x1024xf32, #tpu.memory_space<vmem>>, vector<1x64x1024xf32>,
    %slice3A_761 = vector.extract_strided_slice %div3A_700 {offsets = [6, 0], sizes = [1, 1024], strides = [1, 1]} : vector<8x1024xf32> to vector<1x1024xf32>
    %broadcast_in_dim3A_762 = vector.shape_cast %slice3A_761 : vector<1x1024xf32> to vector<1x1024xf32>
    %broadcast_in_dim3A_763 = vector.broadcast %broadcast_in_dim3A_762 : vector<1x1024xf32> to vector<64x1024xf32>
    %add3A_764 = arith.addf %add3A_186, %add3A_219 : vector<64x1024xf32>
    %mul3A_765 = arith.mulf %broadcast_in_dim3A_53, %broadcast_in_dim3A_763 : vector<64x1024xf32>
    %add3A_766 = arith.addf %add3A_764, %mul3A_765 : vector<64x1024xf32>
    %swap3A_767 = arith.constant 33 : index
    %swap3A_768 = arith.constant 0 : index
    %swap3A_769 = arith.constant 0 : index
    %swap3A_770 = vector.load %arg10[%swap3A_767, %swap3A_768, %swap3A_769] : memref<56x64x1024xf32, #tpu.memory_space<vmem>>, vector<1x64x1024xf32>
    %swap3A_771 = vector.shape_cast %swap3A_770 : vector<1x64x1024xf32> to vector<64x1024xf32>
    %swap3A_772 = vector.shape_cast %add3A_766 : vector<64x1024xf32> to vector<1x64x1024xf32>
    tpu.vector_store %arg10[%swap3A_767, %swap3A_768, %swap3A_769], %swap3A_772 {strides = array<i32>} : memref<56x64x1024xf32, #tpu.memory_space<vmem>>, vector<1x64x1024xf32>,
    %slice3A_773 = vector.extract_strided_slice %div3A_700 {offsets = [7, 0], sizes = [1, 1024], strides = [1, 1]} : vector<8x1024xf32> to vector<1x1024xf32>
    %broadcast_in_dim3A_774 = vector.shape_cast %slice3A_773 : vector<1x1024xf32> to vector<1x1024xf32>
    %broadcast_in_dim3A_775 = vector.broadcast %broadcast_in_dim3A_774 : vector<1x1024xf32> to vector<64x1024xf32>
    %add3A_776 = arith.addf %add3A_186, %add3A_234 : vector<64x1024xf32>
    %mul3A_777 = arith.mulf %broadcast_in_dim3A_53, %broadcast_in_dim3A_775 : vector<64x1024xf32>
    %add3A_778 = arith.addf %add3A_776, %mul3A_777 : vector<64x1024xf32>
    %swap3A_779 = arith.constant 34 : index
    %swap3A_780 = arith.constant 0 : index
    %swap3A_781 = arith.constant 0 : index
    %swap3A_782 = vector.load %arg10[%swap3A_779, %swap3A_780, %swap3A_781] : memref<56x64x1024xf32, #tpu.memory_space<vmem>>, vector<1x64x1024xf32>
    %swap3A_783 = vector.shape_cast %swap3A_782 : vector<1x64x1024xf32> to vector<64x1024xf32>
    %swap3A_784 = vector.shape_cast %add3A_778 : vector<64x1024xf32> to vector<1x64x1024xf32>
    tpu.vector_store %arg10[%swap3A_779, %swap3A_780, %swap3A_781], %swap3A_784 {strides = array<i32>} : memref<56x64x1024xf32, #tpu.memory_space<vmem>>, vector<1x64x1024xf32>,
    %slice3A_785 = vector.extract_strided_slice %reshape3A {offsets = [5, 0], sizes = [1, 1024], strides = [1, 1]} : vector<8x1024xf32> to vector<1x1024xf32>
    %sub3A_786 = vector.broadcast %slice3A_785 : vector<1x1024xf32> to vector<8x1024xf32>
    %sub3A_787 = arith.subf %sub3A_786, %reshape3A : vector<8x1024xf32>
    %slice3A_788 = vector.extract_strided_slice %reshape3A_7 {offsets = [5, 0], sizes = [1, 1024], strides = [1, 1]} : vector<8x1024xf32> to vector<1x1024xf32>
    %sub3A_789 = vector.broadcast %slice3A_788 : vector<1x1024xf32> to vector<8x1024xf32>
    %sub3A_790 = arith.subf %sub3A_789, %reshape3A_7 : vector<8x1024xf32>
    %slice3A_791 = vector.extract_strided_slice %reshape3A_12 {offsets = [5, 0], sizes = [1, 1024], strides = [1, 1]} : vector<8x1024xf32> to vector<1x1024xf32>
    %sub3A_792 = vector.broadcast %slice3A_791 : vector<1x1024xf32> to vector<8x1024xf32>
    %sub3A_793 = arith.subf %sub3A_792, %reshape3A_12 : vector<8x1024xf32>
    %mul3A_794 = arith.mulf %sub3A_787, %sub3A_787 : vector<8x1024xf32>
    %mul3A_795 = arith.mulf %sub3A_790, %sub3A_790 : vector<8x1024xf32>
    %add3A_796 = arith.addf %mul3A_794, %mul3A_795 : vector<8x1024xf32>
    %mul3A_797 = arith.mulf %sub3A_793, %sub3A_793 : vector<8x1024xf32>
    %add3A_798 = arith.addf %add3A_796, %mul3A_797 : vector<8x1024xf32>
    %sqrt3A_799 = math.sqrt %add3A_798 : vector<8x1024xf32>
    %slice3A_800 = vector.extract_strided_slice %get3A_15 {offsets = [5, 0], sizes = [1, 1024], strides = [1, 1]} : vector<8x1024xf32> to vector<1x1024xf32>
    %max3A_801 = vector.broadcast %slice3A_800 : vector<1x1024xf32> to vector<8x1024xf32>
    %max3A_802 = arith.maximumf %max3A_801, %get3A_15 : vector<8x1024xf32>
    %slice3A_803 = vector.extract_strided_slice %get3A_15 {offsets = [5, 0], sizes = [1, 1024], strides = [1, 1]} : vector<8x1024xf32> to vector<1x1024xf32>
    %min3A_804 = vector.broadcast %slice3A_803 : vector<1x1024xf32> to vector<8x1024xf32>
    %min3A_805 = arith.minimumf %min3A_804, %get3A_15 : vector<8x1024xf32>
    %sub3A_806 = arith.subf %sqrt3A_799, %max3A_802 : vector<8x1024xf32>
    %add3A_807 = arith.addf %sub3A_806, %min3A_805 : vector<8x1024xf32>
    %mul3A_808 = arith.constant 2.000000e+00 : f32
    %mul3A_809 = vector.broadcast %mul3A_808 : f32 to vector<8x1024xf32>
    %mul3A_810 = arith.mulf %mul3A_809, %min3A_805 : vector<8x1024xf32>
    %div3A_811 = arith.divf %add3A_807, %mul3A_810 : vector<8x1024xf32>
    %slice3A_812 = vector.extract_strided_slice %div3A_811 {offsets = [0, 0], sizes = [1, 1024], strides = [1, 1]} : vector<8x1024xf32> to vector<1x1024xf32>
    %broadcast_in_dim3A_813 = vector.shape_cast %slice3A_812 : vector<1x1024xf32> to vector<1x1024xf32>
    %broadcast_in_dim3A_814 = vector.broadcast %broadcast_in_dim3A_813 : vector<1x1024xf32> to vector<64x1024xf32>
    %add3A_815 = arith.addf %add3A_201, %add3A_129 : vector<64x1024xf32>
    %mul3A_816 = arith.mulf %broadcast_in_dim3A_53, %broadcast_in_dim3A_814 : vector<64x1024xf32>
    %add3A_817 = arith.addf %add3A_815, %mul3A_816 : vector<64x1024xf32>
    %swap3A_818 = arith.constant 35 : index
    %swap3A_819 = arith.constant 0 : index
    %swap3A_820 = arith.constant 0 : index
    %swap3A_821 = vector.load %arg10[%swap3A_818, %swap3A_819, %swap3A_820] : memref<56x64x1024xf32, #tpu.memory_space<vmem>>, vector<1x64x1024xf32>
    %swap3A_822 = vector.shape_cast %swap3A_821 : vector<1x64x1024xf32> to vector<64x1024xf32>
    %swap3A_823 = vector.shape_cast %add3A_817 : vector<64x1024xf32> to vector<1x64x1024xf32>
    tpu.vector_store %arg10[%swap3A_818, %swap3A_819, %swap3A_820], %swap3A_823 {strides = array<i32>} : memref<56x64x1024xf32, #tpu.memory_space<vmem>>, vector<1x64x1024xf32>,
    %slice3A_824 = vector.extract_strided_slice %div3A_811 {offsets = [1, 0], sizes = [1, 1024], strides = [1, 1]} : vector<8x1024xf32> to vector<1x1024xf32>
    %broadcast_in_dim3A_825 = vector.shape_cast %slice3A_824 : vector<1x1024xf32> to vector<1x1024xf32>
    %broadcast_in_dim3A_826 = vector.broadcast %broadcast_in_dim3A_825 : vector<1x1024xf32> to vector<64x1024xf32>
    %add3A_827 = arith.addf %add3A_201, %add3A_144 : vector<64x1024xf32>
    %mul3A_828 = arith.mulf %broadcast_in_dim3A_53, %broadcast_in_dim3A_826 : vector<64x1024xf32>
    %add3A_829 = arith.addf %add3A_827, %mul3A_828 : vector<64x1024xf32>
    %swap3A_830 = arith.constant 36 : index
    %swap3A_831 = arith.constant 0 : index
    %swap3A_832 = arith.constant 0 : index
    %swap3A_833 = vector.load %arg10[%swap3A_830, %swap3A_831, %swap3A_832] : memref<56x64x1024xf32, #tpu.memory_space<vmem>>, vector<1x64x1024xf32>
    %swap3A_834 = vector.shape_cast %swap3A_833 : vector<1x64x1024xf32> to vector<64x1024xf32>
    %swap3A_835 = vector.shape_cast %add3A_829 : vector<64x1024xf32> to vector<1x64x1024xf32>
    tpu.vector_store %arg10[%swap3A_830, %swap3A_831, %swap3A_832], %swap3A_835 {strides = array<i32>} : memref<56x64x1024xf32, #tpu.memory_space<vmem>>, vector<1x64x1024xf32>,
    %slice3A_836 = vector.extract_strided_slice %div3A_811 {offsets = [2, 0], sizes = [1, 1024], strides = [1, 1]} : vector<8x1024xf32> to vector<1x1024xf32>
    %broadcast_in_dim3A_837 = vector.shape_cast %slice3A_836 : vector<1x1024xf32> to vector<1x1024xf32>
    %broadcast_in_dim3A_838 = vector.broadcast %broadcast_in_dim3A_837 : vector<1x1024xf32> to vector<64x1024xf32>
    %add3A_839 = arith.addf %add3A_201, %add3A_159 : vector<64x1024xf32>
    %mul3A_840 = arith.mulf %broadcast_in_dim3A_53, %broadcast_in_dim3A_838 : vector<64x1024xf32>
    %add3A_841 = arith.addf %add3A_839, %mul3A_840 : vector<64x1024xf32>
    %swap3A_842 = arith.constant 37 : index
    %swap3A_843 = arith.constant 0 : index
    %swap3A_844 = arith.constant 0 : index
    %swap3A_845 = vector.load %arg10[%swap3A_842, %swap3A_843, %swap3A_844] : memref<56x64x1024xf32, #tpu.memory_space<vmem>>, vector<1x64x1024xf32>
    %swap3A_846 = vector.shape_cast %swap3A_845 : vector<1x64x1024xf32> to vector<64x1024xf32>
    %swap3A_847 = vector.shape_cast %add3A_841 : vector<64x1024xf32> to vector<1x64x1024xf32>
    tpu.vector_store %arg10[%swap3A_842, %swap3A_843, %swap3A_844], %swap3A_847 {strides = array<i32>} : memref<56x64x1024xf32, #tpu.memory_space<vmem>>, vector<1x64x1024xf32>,
    %slice3A_848 = vector.extract_strided_slice %div3A_811 {offsets = [3, 0], sizes = [1, 1024], strides = [1, 1]} : vector<8x1024xf32> to vector<1x1024xf32>
    %broadcast_in_dim3A_849 = vector.shape_cast %slice3A_848 : vector<1x1024xf32> to vector<1x1024xf32>
    %broadcast_in_dim3A_850 = vector.broadcast %broadcast_in_dim3A_849 : vector<1x1024xf32> to vector<64x1024xf32>
    %add3A_851 = arith.addf %add3A_201, %add3A_174 : vector<64x1024xf32>
    %mul3A_852 = arith.mulf %broadcast_in_dim3A_53, %broadcast_in_dim3A_850 : vector<64x1024xf32>
    %add3A_853 = arith.addf %add3A_851, %mul3A_852 : vector<64x1024xf32>
    %swap3A_854 = arith.constant 38 : index
    %swap3A_855 = arith.constant 0 : index
    %swap3A_856 = arith.constant 0 : index
    %swap3A_857 = vector.load %arg10[%swap3A_854, %swap3A_855, %swap3A_856] : memref<56x64x1024xf32, #tpu.memory_space<vmem>>, vector<1x64x1024xf32>
    %swap3A_858 = vector.shape_cast %swap3A_857 : vector<1x64x1024xf32> to vector<64x1024xf32>
    %swap3A_859 = vector.shape_cast %add3A_853 : vector<64x1024xf32> to vector<1x64x1024xf32>
    tpu.vector_store %arg10[%swap3A_854, %swap3A_855, %swap3A_856], %swap3A_859 {strides = array<i32>} : memref<56x64x1024xf32, #tpu.memory_space<vmem>>, vector<1x64x1024xf32>,
    %slice3A_860 = vector.extract_strided_slice %div3A_811 {offsets = [4, 0], sizes = [1, 1024], strides = [1, 1]} : vector<8x1024xf32> to vector<1x1024xf32>
    %broadcast_in_dim3A_861 = vector.shape_cast %slice3A_860 : vector<1x1024xf32> to vector<1x1024xf32>
    %broadcast_in_dim3A_862 = vector.broadcast %broadcast_in_dim3A_861 : vector<1x1024xf32> to vector<64x1024xf32>
    %add3A_863 = arith.addf %add3A_201, %add3A_189 : vector<64x1024xf32>
    %mul3A_864 = arith.mulf %broadcast_in_dim3A_53, %broadcast_in_dim3A_862 : vector<64x1024xf32>
    %add3A_865 = arith.addf %add3A_863, %mul3A_864 : vector<64x1024xf32>
    %swap3A_866 = arith.constant 39 : index
    %swap3A_867 = arith.constant 0 : index
    %swap3A_868 = arith.constant 0 : index
    %swap3A_869 = vector.load %arg10[%swap3A_866, %swap3A_867, %swap3A_868] : memref<56x64x1024xf32, #tpu.memory_space<vmem>>, vector<1x64x1024xf32>
    %swap3A_870 = vector.shape_cast %swap3A_869 : vector<1x64x1024xf32> to vector<64x1024xf32>
    %swap3A_871 = vector.shape_cast %add3A_865 : vector<64x1024xf32> to vector<1x64x1024xf32>
    tpu.vector_store %arg10[%swap3A_866, %swap3A_867, %swap3A_868], %swap3A_871 {strides = array<i32>} : memref<56x64x1024xf32, #tpu.memory_space<vmem>>, vector<1x64x1024xf32>,
    %slice3A_872 = vector.extract_strided_slice %div3A_811 {offsets = [6, 0], sizes = [1, 1024], strides = [1, 1]} : vector<8x1024xf32> to vector<1x1024xf32>
    %broadcast_in_dim3A_873 = vector.shape_cast %slice3A_872 : vector<1x1024xf32> to vector<1x1024xf32>
    %broadcast_in_dim3A_874 = vector.broadcast %broadcast_in_dim3A_873 : vector<1x1024xf32> to vector<64x1024xf32>
    %add3A_875 = arith.addf %add3A_201, %add3A_219 : vector<64x1024xf32>
    %mul3A_876 = arith.mulf %broadcast_in_dim3A_53, %broadcast_in_dim3A_874 : vector<64x1024xf32>
    %add3A_877 = arith.addf %add3A_875, %mul3A_876 : vector<64x1024xf32>
    %swap3A_878 = arith.constant 40 : index
    %swap3A_879 = arith.constant 0 : index
    %swap3A_880 = arith.constant 0 : index
    %swap3A_881 = vector.load %arg10[%swap3A_878, %swap3A_879, %swap3A_880] : memref<56x64x1024xf32, #tpu.memory_space<vmem>>, vector<1x64x1024xf32>
    %swap3A_882 = vector.shape_cast %swap3A_881 : vector<1x64x1024xf32> to vector<64x1024xf32>
    %swap3A_883 = vector.shape_cast %add3A_877 : vector<64x1024xf32> to vector<1x64x1024xf32>
    tpu.vector_store %arg10[%swap3A_878, %swap3A_879, %swap3A_880], %swap3A_883 {strides = array<i32>} : memref<56x64x1024xf32, #tpu.memory_space<vmem>>, vector<1x64x1024xf32>,
    %slice3A_884 = vector.extract_strided_slice %div3A_811 {offsets = [7, 0], sizes = [1, 1024], strides = [1, 1]} : vector<8x1024xf32> to vector<1x1024xf32>
    %broadcast_in_dim3A_885 = vector.shape_cast %slice3A_884 : vector<1x1024xf32> to vector<1x1024xf32>
    %broadcast_in_dim3A_886 = vector.broadcast %broadcast_in_dim3A_885 : vector<1x1024xf32> to vector<64x1024xf32>
    %add3A_887 = arith.addf %add3A_201, %add3A_234 : vector<64x1024xf32>
    %mul3A_888 = arith.mulf %broadcast_in_dim3A_53, %broadcast_in_dim3A_886 : vector<64x1024xf32>
    %add3A_889 = arith.addf %add3A_887, %mul3A_888 : vector<64x1024xf32>
    %swap3A_890 = arith.constant 41 : index
    %swap3A_891 = arith.constant 0 : index
    %swap3A_892 = arith.constant 0 : index
    %swap3A_893 = vector.load %arg10[%swap3A_890, %swap3A_891, %swap3A_892] : memref<56x64x1024xf32, #tpu.memory_space<vmem>>, vector<1x64x1024xf32>
    %swap3A_894 = vector.shape_cast %swap3A_893 : vector<1x64x1024xf32> to vector<64x1024xf32>
    %swap3A_895 = vector.shape_cast %add3A_889 : vector<64x1024xf32> to vector<1x64x1024xf32>
    tpu.vector_store %arg10[%swap3A_890, %swap3A_891, %swap3A_892], %swap3A_895 {strides = array<i32>} : memref<56x64x1024xf32, #tpu.memory_space<vmem>>, vector<1x64x1024xf32>,
    %slice3A_896 = vector.extract_strided_slice %reshape3A {offsets = [6, 0], sizes = [1, 1024], strides = [1, 1]} : vector<8x1024xf32> to vector<1x1024xf32>
    %sub3A_897 = vector.broadcast %slice3A_896 : vector<1x1024xf32> to vector<8x1024xf32>
    %sub3A_898 = arith.subf %sub3A_897, %reshape3A : vector<8x1024xf32>
    %slice3A_899 = vector.extract_strided_slice %reshape3A_7 {offsets = [6, 0], sizes = [1, 1024], strides = [1, 1]} : vector<8x1024xf32> to vector<1x1024xf32>
    %sub3A_900 = vector.broadcast %slice3A_899 : vector<1x1024xf32> to vector<8x1024xf32>
    %sub3A_901 = arith.subf %sub3A_900, %reshape3A_7 : vector<8x1024xf32>
    %slice3A_902 = vector.extract_strided_slice %reshape3A_12 {offsets = [6, 0], sizes = [1, 1024], strides = [1, 1]} : vector<8x1024xf32> to vector<1x1024xf32>
    %sub3A_903 = vector.broadcast %slice3A_902 : vector<1x1024xf32> to vector<8x1024xf32>
    %sub3A_904 = arith.subf %sub3A_903, %reshape3A_12 : vector<8x1024xf32>
    %mul3A_905 = arith.mulf %sub3A_898, %sub3A_898 : vector<8x1024xf32>
    %mul3A_906 = arith.mulf %sub3A_901, %sub3A_901 : vector<8x1024xf32>
    %add3A_907 = arith.addf %mul3A_905, %mul3A_906 : vector<8x1024xf32>
    %mul3A_908 = arith.mulf %sub3A_904, %sub3A_904 : vector<8x1024xf32>
    %add3A_909 = arith.addf %add3A_907, %mul3A_908 : vector<8x1024xf32>
    %sqrt3A_910 = math.sqrt %add3A_909 : vector<8x1024xf32>
    %slice3A_911 = vector.extract_strided_slice %get3A_15 {offsets = [6, 0], sizes = [1, 1024], strides = [1, 1]} : vector<8x1024xf32> to vector<1x1024xf32>
    %max3A_912 = vector.broadcast %slice3A_911 : vector<1x1024xf32> to vector<8x1024xf32>
    %max3A_913 = arith.maximumf %max3A_912, %get3A_15 : vector<8x1024xf32>
    %slice3A_914 = vector.extract_strided_slice %get3A_15 {offsets = [6, 0], sizes = [1, 1024], strides = [1, 1]} : vector<8x1024xf32> to vector<1x1024xf32>
    %min3A_915 = vector.broadcast %slice3A_914 : vector<1x1024xf32> to vector<8x1024xf32>
    %min3A_916 = arith.minimumf %min3A_915, %get3A_15 : vector<8x1024xf32>
    %sub3A_917 = arith.subf %sqrt3A_910, %max3A_913 : vector<8x1024xf32>
    %add3A_918 = arith.addf %sub3A_917, %min3A_916 : vector<8x1024xf32>
    %mul3A_919 = arith.constant 2.000000e+00 : f32
    %mul3A_920 = vector.broadcast %mul3A_919 : f32 to vector<8x1024xf32>
    %mul3A_921 = arith.mulf %mul3A_920, %min3A_916 : vector<8x1024xf32>
    %div3A_922 = arith.divf %add3A_918, %mul3A_921 : vector<8x1024xf32>
    %slice3A_923 = vector.extract_strided_slice %div3A_922 {offsets = [0, 0], sizes = [1, 1024], strides = [1, 1]} : vector<8x1024xf32> to vector<1x1024xf32>
    %broadcast_in_dim3A_924 = vector.shape_cast %slice3A_923 : vector<1x1024xf32> to vector<1x1024xf32>
    %broadcast_in_dim3A_925 = vector.broadcast %broadcast_in_dim3A_924 : vector<1x1024xf32> to vector<64x1024xf32>
    %add3A_926 = arith.addf %add3A_216, %add3A_129 : vector<64x1024xf32>
    %mul3A_927 = arith.mulf %broadcast_in_dim3A_53, %broadcast_in_dim3A_925 : vector<64x1024xf32>
    %add3A_928 = arith.addf %add3A_926, %mul3A_927 : vector<64x1024xf32>
    %swap3A_929 = arith.constant 42 : index
    %swap3A_930 = arith.constant 0 : index
    %swap3A_931 = arith.constant 0 : index
    %swap3A_932 = vector.load %arg10[%swap3A_929, %swap3A_930, %swap3A_931] : memref<56x64x1024xf32, #tpu.memory_space<vmem>>, vector<1x64x1024xf32>
    %swap3A_933 = vector.shape_cast %swap3A_932 : vector<1x64x1024xf32> to vector<64x1024xf32>
    %swap3A_934 = vector.shape_cast %add3A_928 : vector<64x1024xf32> to vector<1x64x1024xf32>
    tpu.vector_store %arg10[%swap3A_929, %swap3A_930, %swap3A_931], %swap3A_934 {strides = array<i32>} : memref<56x64x1024xf32, #tpu.memory_space<vmem>>, vector<1x64x1024xf32>,
    %slice3A_935 = vector.extract_strided_slice %div3A_922 {offsets = [1, 0], sizes = [1, 1024], strides = [1, 1]} : vector<8x1024xf32> to vector<1x1024xf32>
    %broadcast_in_dim3A_936 = vector.shape_cast %slice3A_935 : vector<1x1024xf32> to vector<1x1024xf32>
    %broadcast_in_dim3A_937 = vector.broadcast %broadcast_in_dim3A_936 : vector<1x1024xf32> to vector<64x1024xf32>
    %add3A_938 = arith.addf %add3A_216, %add3A_144 : vector<64x1024xf32>
    %mul3A_939 = arith.mulf %broadcast_in_dim3A_53, %broadcast_in_dim3A_937 : vector<64x1024xf32>
    %add3A_940 = arith.addf %add3A_938, %mul3A_939 : vector<64x1024xf32>
    %swap3A_941 = arith.constant 43 : index
    %swap3A_942 = arith.constant 0 : index
    %swap3A_943 = arith.constant 0 : index
    %swap3A_944 = vector.load %arg10[%swap3A_941, %swap3A_942, %swap3A_943] : memref<56x64x1024xf32, #tpu.memory_space<vmem>>, vector<1x64x1024xf32>
    %swap3A_945 = vector.shape_cast %swap3A_944 : vector<1x64x1024xf32> to vector<64x1024xf32>
    %swap3A_946 = vector.shape_cast %add3A_940 : vector<64x1024xf32> to vector<1x64x1024xf32>
    tpu.vector_store %arg10[%swap3A_941, %swap3A_942, %swap3A_943], %swap3A_946 {strides = array<i32>} : memref<56x64x1024xf32, #tpu.memory_space<vmem>>, vector<1x64x1024xf32>,
    %slice3A_947 = vector.extract_strided_slice %div3A_922 {offsets = [2, 0], sizes = [1, 1024], strides = [1, 1]} : vector<8x1024xf32> to vector<1x1024xf32>
    %broadcast_in_dim3A_948 = vector.shape_cast %slice3A_947 : vector<1x1024xf32> to vector<1x1024xf32>
    %broadcast_in_dim3A_949 = vector.broadcast %broadcast_in_dim3A_948 : vector<1x1024xf32> to vector<64x1024xf32>
    %add3A_950 = arith.addf %add3A_216, %add3A_159 : vector<64x1024xf32>
    %mul3A_951 = arith.mulf %broadcast_in_dim3A_53, %broadcast_in_dim3A_949 : vector<64x1024xf32>
    %add3A_952 = arith.addf %add3A_950, %mul3A_951 : vector<64x1024xf32>
    %swap3A_953 = arith.constant 44 : index
    %swap3A_954 = arith.constant 0 : index
    %swap3A_955 = arith.constant 0 : index
    %swap3A_956 = vector.load %arg10[%swap3A_953, %swap3A_954, %swap3A_955] : memref<56x64x1024xf32, #tpu.memory_space<vmem>>, vector<1x64x1024xf32>
    %swap3A_957 = vector.shape_cast %swap3A_956 : vector<1x64x1024xf32> to vector<64x1024xf32>
    %swap3A_958 = vector.shape_cast %add3A_952 : vector<64x1024xf32> to vector<1x64x1024xf32>
    tpu.vector_store %arg10[%swap3A_953, %swap3A_954, %swap3A_955], %swap3A_958 {strides = array<i32>} : memref<56x64x1024xf32, #tpu.memory_space<vmem>>, vector<1x64x1024xf32>,
    %slice3A_959 = vector.extract_strided_slice %div3A_922 {offsets = [3, 0], sizes = [1, 1024], strides = [1, 1]} : vector<8x1024xf32> to vector<1x1024xf32>
    %broadcast_in_dim3A_960 = vector.shape_cast %slice3A_959 : vector<1x1024xf32> to vector<1x1024xf32>
    %broadcast_in_dim3A_961 = vector.broadcast %broadcast_in_dim3A_960 : vector<1x1024xf32> to vector<64x1024xf32>
    %add3A_962 = arith.addf %add3A_216, %add3A_174 : vector<64x1024xf32>
    %mul3A_963 = arith.mulf %broadcast_in_dim3A_53, %broadcast_in_dim3A_961 : vector<64x1024xf32>
    %add3A_964 = arith.addf %add3A_962, %mul3A_963 : vector<64x1024xf32>
    %swap3A_965 = arith.constant 45 : index
    %swap3A_966 = arith.constant 0 : index
    %swap3A_967 = arith.constant 0 : index
    %swap3A_968 = vector.load %arg10[%swap3A_965, %swap3A_966, %swap3A_967] : memref<56x64x1024xf32, #tpu.memory_space<vmem>>, vector<1x64x1024xf32>
    %swap3A_969 = vector.shape_cast %swap3A_968 : vector<1x64x1024xf32> to vector<64x1024xf32>
    %swap3A_970 = vector.shape_cast %add3A_964 : vector<64x1024xf32> to vector<1x64x1024xf32>
    tpu.vector_store %arg10[%swap3A_965, %swap3A_966, %swap3A_967], %swap3A_970 {strides = array<i32>} : memref<56x64x1024xf32, #tpu.memory_space<vmem>>, vector<1x64x1024xf32>,
    %slice3A_971 = vector.extract_strided_slice %div3A_922 {offsets = [4, 0], sizes = [1, 1024], strides = [1, 1]} : vector<8x1024xf32> to vector<1x1024xf32>
    %broadcast_in_dim3A_972 = vector.shape_cast %slice3A_971 : vector<1x1024xf32> to vector<1x1024xf32>
    %broadcast_in_dim3A_973 = vector.broadcast %broadcast_in_dim3A_972 : vector<1x1024xf32> to vector<64x1024xf32>
    %add3A_974 = arith.addf %add3A_216, %add3A_189 : vector<64x1024xf32>
    %mul3A_975 = arith.mulf %broadcast_in_dim3A_53, %broadcast_in_dim3A_973 : vector<64x1024xf32>
    %add3A_976 = arith.addf %add3A_974, %mul3A_975 : vector<64x1024xf32>
    %swap3A_977 = arith.constant 46 : index
    %swap3A_978 = arith.constant 0 : index
    %swap3A_979 = arith.constant 0 : index
    %swap3A_980 = vector.load %arg10[%swap3A_977, %swap3A_978, %swap3A_979] : memref<56x64x1024xf32, #tpu.memory_space<vmem>>, vector<1x64x1024xf32>
    %swap3A_981 = vector.shape_cast %swap3A_980 : vector<1x64x1024xf32> to vector<64x1024xf32>
    %swap3A_982 = vector.shape_cast %add3A_976 : vector<64x1024xf32> to vector<1x64x1024xf32>
    tpu.vector_store %arg10[%swap3A_977, %swap3A_978, %swap3A_979], %swap3A_982 {strides = array<i32>} : memref<56x64x1024xf32, #tpu.memory_space<vmem>>, vector<1x64x1024xf32>,
    %slice3A_983 = vector.extract_strided_slice %div3A_922 {offsets = [5, 0], sizes = [1, 1024], strides = [1, 1]} : vector<8x1024xf32> to vector<1x1024xf32>
    %broadcast_in_dim3A_984 = vector.shape_cast %slice3A_983 : vector<1x1024xf32> to vector<1x1024xf32>
    %broadcast_in_dim3A_985 = vector.broadcast %broadcast_in_dim3A_984 : vector<1x1024xf32> to vector<64x1024xf32>
    %add3A_986 = arith.addf %add3A_216, %add3A_204 : vector<64x1024xf32>
    %mul3A_987 = arith.mulf %broadcast_in_dim3A_53, %broadcast_in_dim3A_985 : vector<64x1024xf32>
    %add3A_988 = arith.addf %add3A_986, %mul3A_987 : vector<64x1024xf32>
    %swap3A_989 = arith.constant 47 : index
    %swap3A_990 = arith.constant 0 : index
    %swap3A_991 = arith.constant 0 : index
    %swap3A_992 = vector.load %arg10[%swap3A_989, %swap3A_990, %swap3A_991] : memref<56x64x1024xf32, #tpu.memory_space<vmem>>, vector<1x64x1024xf32>
    %swap3A_993 = vector.shape_cast %swap3A_992 : vector<1x64x1024xf32> to vector<64x1024xf32>
    %swap3A_994 = vector.shape_cast %add3A_988 : vector<64x1024xf32> to vector<1x64x1024xf32>
    tpu.vector_store %arg10[%swap3A_989, %swap3A_990, %swap3A_991], %swap3A_994 {strides = array<i32>} : memref<56x64x1024xf32, #tpu.memory_space<vmem>>, vector<1x64x1024xf32>,
    %slice3A_995 = vector.extract_strided_slice %div3A_922 {offsets = [7, 0], sizes = [1, 1024], strides = [1, 1]} : vector<8x1024xf32> to vector<1x1024xf32>
    %broadcast_in_dim3A_996 = vector.shape_cast %slice3A_995 : vector<1x1024xf32> to vector<1x1024xf32>
    %broadcast_in_dim3A_997 = vector.broadcast %broadcast_in_dim3A_996 : vector<1x1024xf32> to vector<64x1024xf32>
    %add3A_998 = arith.addf %add3A_216, %add3A_234 : vector<64x1024xf32>
    %mul3A_999 = arith.mulf %broadcast_in_dim3A_53, %broadcast_in_dim3A_997 : vector<64x1024xf32>
    %add3A_1000 = arith.addf %add3A_998, %mul3A_999 : vector<64x1024xf32>
    %swap3A_1001 = arith.constant 48 : index
    %swap3A_1002 = arith.constant 0 : index
    %swap3A_1003 = arith.constant 0 : index
    %swap3A_1004 = vector.load %arg10[%swap3A_1001, %swap3A_1002, %swap3A_1003] : memref<56x64x1024xf32, #tpu.memory_space<vmem>>, vector<1x64x1024xf32>
    %swap3A_1005 = vector.shape_cast %swap3A_1004 : vector<1x64x1024xf32> to vector<64x1024xf32>
    %swap3A_1006 = vector.shape_cast %add3A_1000 : vector<64x1024xf32> to vector<1x64x1024xf32>
    tpu.vector_store %arg10[%swap3A_1001, %swap3A_1002, %swap3A_1003], %swap3A_1006 {strides = array<i32>} : memref<56x64x1024xf32, #tpu.memory_space<vmem>>, vector<1x64x1024xf32>,
    %slice3A_1007 = vector.extract_strided_slice %reshape3A {offsets = [7, 0], sizes = [1, 1024], strides = [1, 1]} : vector<8x1024xf32> to vector<1x1024xf32>
    %sub3A_1008 = vector.broadcast %slice3A_1007 : vector<1x1024xf32> to vector<8x1024xf32>
    %sub3A_1009 = arith.subf %sub3A_1008, %reshape3A : vector<8x1024xf32>
    %slice3A_1010 = vector.extract_strided_slice %reshape3A_7 {offsets = [7, 0], sizes = [1, 1024], strides = [1, 1]} : vector<8x1024xf32> to vector<1x1024xf32>
    %sub3A_1011 = vector.broadcast %slice3A_1010 : vector<1x1024xf32> to vector<8x1024xf32>
    %sub3A_1012 = arith.subf %sub3A_1011, %reshape3A_7 : vector<8x1024xf32>
    %slice3A_1013 = vector.extract_strided_slice %reshape3A_12 {offsets = [7, 0], sizes = [1, 1024], strides = [1, 1]} : vector<8x1024xf32> to vector<1x1024xf32>
    %sub3A_1014 = vector.broadcast %slice3A_1013 : vector<1x1024xf32> to vector<8x1024xf32>
    %sub3A_1015 = arith.subf %sub3A_1014, %reshape3A_12 : vector<8x1024xf32>
    %mul3A_1016 = arith.mulf %sub3A_1009, %sub3A_1009 : vector<8x1024xf32>
    %mul3A_1017 = arith.mulf %sub3A_1012, %sub3A_1012 : vector<8x1024xf32>
    %add3A_1018 = arith.addf %mul3A_1016, %mul3A_1017 : vector<8x1024xf32>
    %mul3A_1019 = arith.mulf %sub3A_1015, %sub3A_1015 : vector<8x1024xf32>
    %add3A_1020 = arith.addf %add3A_1018, %mul3A_1019 : vector<8x1024xf32>
    %sqrt3A_1021 = math.sqrt %add3A_1020 : vector<8x1024xf32>
    %slice3A_1022 = vector.extract_strided_slice %get3A_15 {offsets = [7, 0], sizes = [1, 1024], strides = [1, 1]} : vector<8x1024xf32> to vector<1x1024xf32>
    %max3A_1023 = vector.broadcast %slice3A_1022 : vector<1x1024xf32> to vector<8x1024xf32>
    %max3A_1024 = arith.maximumf %max3A_1023, %get3A_15 : vector<8x1024xf32>
    %slice3A_1025 = vector.extract_strided_slice %get3A_15 {offsets = [7, 0], sizes = [1, 1024], strides = [1, 1]} : vector<8x1024xf32> to vector<1x1024xf32>
    %min3A_1026 = vector.broadcast %slice3A_1025 : vector<1x1024xf32> to vector<8x1024xf32>
    %min3A_1027 = arith.minimumf %min3A_1026, %get3A_15 : vector<8x1024xf32>
    %sub3A_1028 = arith.subf %sqrt3A_1021, %max3A_1024 : vector<8x1024xf32>
    %add3A_1029 = arith.addf %sub3A_1028, %min3A_1027 : vector<8x1024xf32>
    %mul3A_1030 = arith.constant 2.000000e+00 : f32
    %mul3A_1031 = vector.broadcast %mul3A_1030 : f32 to vector<8x1024xf32>
    %mul3A_1032 = arith.mulf %mul3A_1031, %min3A_1027 : vector<8x1024xf32>
    %div3A_1033 = arith.divf %add3A_1029, %mul3A_1032 : vector<8x1024xf32>
    %slice3A_1034 = vector.extract_strided_slice %div3A_1033 {offsets = [0, 0], sizes = [1, 1024], strides = [1, 1]} : vector<8x1024xf32> to vector<1x1024xf32>
    %broadcast_in_dim3A_1035 = vector.shape_cast %slice3A_1034 : vector<1x1024xf32> to vector<1x1024xf32>
    %broadcast_in_dim3A_1036 = vector.broadcast %broadcast_in_dim3A_1035 : vector<1x1024xf32> to vector<64x1024xf32>
    %add3A_1037 = arith.addf %add3A_231, %add3A_129 : vector<64x1024xf32>
    %mul3A_1038 = arith.mulf %broadcast_in_dim3A_53, %broadcast_in_dim3A_1036 : vector<64x1024xf32>
    %add3A_1039 = arith.addf %add3A_1037, %mul3A_1038 : vector<64x1024xf32>
    %swap3A_1040 = arith.constant 49 : index
    %swap3A_1041 = arith.constant 0 : index
    %swap3A_1042 = arith.constant 0 : index
    %swap3A_1043 = vector.load %arg10[%swap3A_1040, %swap3A_1041, %swap3A_1042] : memref<56x64x1024xf32, #tpu.memory_space<vmem>>, vector<1x64x1024xf32>
    %swap3A_1044 = vector.shape_cast %swap3A_1043 : vector<1x64x1024xf32> to vector<64x1024xf32>
    %swap3A_1045 = vector.shape_cast %add3A_1039 : vector<64x1024xf32> to vector<1x64x1024xf32>
    tpu.vector_store %arg10[%swap3A_1040, %swap3A_1041, %swap3A_1042], %swap3A_1045 {strides = array<i32>} : memref<56x64x1024xf32, #tpu.memory_space<vmem>>, vector<1x64x1024xf32>,
    %slice3A_1046 = vector.extract_strided_slice %div3A_1033 {offsets = [1, 0], sizes = [1, 1024], strides = [1, 1]} : vector<8x1024xf32> to vector<1x1024xf32>
    %broadcast_in_dim3A_1047 = vector.shape_cast %slice3A_1046 : vector<1x1024xf32> to vector<1x1024xf32>
    %broadcast_in_dim3A_1048 = vector.broadcast %broadcast_in_dim3A_1047 : vector<1x1024xf32> to vector<64x1024xf32>
    %add3A_1049 = arith.addf %add3A_231, %add3A_144 : vector<64x1024xf32>
    %mul3A_1050 = arith.mulf %broadcast_in_dim3A_53, %broadcast_in_dim3A_1048 : vector<64x1024xf32>
    %add3A_1051 = arith.addf %add3A_1049, %mul3A_1050 : vector<64x1024xf32>
    %swap3A_1052 = arith.constant 50 : index
    %swap3A_1053 = arith.constant 0 : index
    %swap3A_1054 = arith.constant 0 : index
    %swap3A_1055 = vector.load %arg10[%swap3A_1052, %swap3A_1053, %swap3A_1054] : memref<56x64x1024xf32, #tpu.memory_space<vmem>>, vector<1x64x1024xf32>
    %swap3A_1056 = vector.shape_cast %swap3A_1055 : vector<1x64x1024xf32> to vector<64x1024xf32>
    %swap3A_1057 = vector.shape_cast %add3A_1051 : vector<64x1024xf32> to vector<1x64x1024xf32>
    tpu.vector_store %arg10[%swap3A_1052, %swap3A_1053, %swap3A_1054], %swap3A_1057 {strides = array<i32>} : memref<56x64x1024xf32, #tpu.memory_space<vmem>>, vector<1x64x1024xf32>,
    %slice3A_1058 = vector.extract_strided_slice %div3A_1033 {offsets = [2, 0], sizes = [1, 1024], strides = [1, 1]} : vector<8x1024xf32> to vector<1x1024xf32>
    %broadcast_in_dim3A_1059 = vector.shape_cast %slice3A_1058 : vector<1x1024xf32> to vector<1x1024xf32>
    %broadcast_in_dim3A_1060 = vector.broadcast %broadcast_in_dim3A_1059 : vector<1x1024xf32> to vector<64x1024xf32>
    %add3A_1061 = arith.addf %add3A_231, %add3A_159 : vector<64x1024xf32>
    %mul3A_1062 = arith.mulf %broadcast_in_dim3A_53, %broadcast_in_dim3A_1060 : vector<64x1024xf32>
    %add3A_1063 = arith.addf %add3A_1061, %mul3A_1062 : vector<64x1024xf32>
    %swap3A_1064 = arith.constant 51 : index
    %swap3A_1065 = arith.constant 0 : index
    %swap3A_1066 = arith.constant 0 : index
    %swap3A_1067 = vector.load %arg10[%swap3A_1064, %swap3A_1065, %swap3A_1066] : memref<56x64x1024xf32, #tpu.memory_space<vmem>>, vector<1x64x1024xf32>
    %swap3A_1068 = vector.shape_cast %swap3A_1067 : vector<1x64x1024xf32> to vector<64x1024xf32>
    %swap3A_1069 = vector.shape_cast %add3A_1063 : vector<64x1024xf32> to vector<1x64x1024xf32>
    tpu.vector_store %arg10[%swap3A_1064, %swap3A_1065, %swap3A_1066], %swap3A_1069 {strides = array<i32>} : memref<56x64x1024xf32, #tpu.memory_space<vmem>>, vector<1x64x1024xf32>,
    %slice3A_1070 = vector.extract_strided_slice %div3A_1033 {offsets = [3, 0], sizes = [1, 1024], strides = [1, 1]} : vector<8x1024xf32> to vector<1x1024xf32>
    %broadcast_in_dim3A_1071 = vector.shape_cast %slice3A_1070 : vector<1x1024xf32> to vector<1x1024xf32>
    %broadcast_in_dim3A_1072 = vector.broadcast %broadcast_in_dim3A_1071 : vector<1x1024xf32> to vector<64x1024xf32>
    %add3A_1073 = arith.addf %add3A_231, %add3A_174 : vector<64x1024xf32>
    %mul3A_1074 = arith.mulf %broadcast_in_dim3A_53, %broadcast_in_dim3A_1072 : vector<64x1024xf32>
    %add3A_1075 = arith.addf %add3A_1073, %mul3A_1074 : vector<64x1024xf32>
    %swap3A_1076 = arith.constant 52 : index
    %swap3A_1077 = arith.constant 0 : index
    %swap3A_1078 = arith.constant 0 : index
    %swap3A_1079 = vector.load %arg10[%swap3A_1076, %swap3A_1077, %swap3A_1078] : memref<56x64x1024xf32, #tpu.memory_space<vmem>>, vector<1x64x1024xf32>
    %swap3A_1080 = vector.shape_cast %swap3A_1079 : vector<1x64x1024xf32> to vector<64x1024xf32>
    %swap3A_1081 = vector.shape_cast %add3A_1075 : vector<64x1024xf32> to vector<1x64x1024xf32>
    tpu.vector_store %arg10[%swap3A_1076, %swap3A_1077, %swap3A_1078], %swap3A_1081 {strides = array<i32>} : memref<56x64x1024xf32, #tpu.memory_space<vmem>>, vector<1x64x1024xf32>,
    %slice3A_1082 = vector.extract_strided_slice %div3A_1033 {offsets = [4, 0], sizes = [1, 1024], strides = [1, 1]} : vector<8x1024xf32> to vector<1x1024xf32>
    %broadcast_in_dim3A_1083 = vector.shape_cast %slice3A_1082 : vector<1x1024xf32> to vector<1x1024xf32>
    %broadcast_in_dim3A_1084 = vector.broadcast %broadcast_in_dim3A_1083 : vector<1x1024xf32> to vector<64x1024xf32>
    %add3A_1085 = arith.addf %add3A_231, %add3A_189 : vector<64x1024xf32>
    %mul3A_1086 = arith.mulf %broadcast_in_dim3A_53, %broadcast_in_dim3A_1084 : vector<64x1024xf32>
    %add3A_1087 = arith.addf %add3A_1085, %mul3A_1086 : vector<64x1024xf32>
    %swap3A_1088 = arith.constant 53 : index
    %swap3A_1089 = arith.constant 0 : index
    %swap3A_1090 = arith.constant 0 : index
    %swap3A_1091 = vector.load %arg10[%swap3A_1088, %swap3A_1089, %swap3A_1090] : memref<56x64x1024xf32, #tpu.memory_space<vmem>>, vector<1x64x1024xf32>
    %swap3A_1092 = vector.shape_cast %swap3A_1091 : vector<1x64x1024xf32> to vector<64x1024xf32>
    %swap3A_1093 = vector.shape_cast %add3A_1087 : vector<64x1024xf32> to vector<1x64x1024xf32>
    tpu.vector_store %arg10[%swap3A_1088, %swap3A_1089, %swap3A_1090], %swap3A_1093 {strides = array<i32>} : memref<56x64x1024xf32, #tpu.memory_space<vmem>>, vector<1x64x1024xf32>,
    %slice3A_1094 = vector.extract_strided_slice %div3A_1033 {offsets = [5, 0], sizes = [1, 1024], strides = [1, 1]} : vector<8x1024xf32> to vector<1x1024xf32>
    %broadcast_in_dim3A_1095 = vector.shape_cast %slice3A_1094 : vector<1x1024xf32> to vector<1x1024xf32>
    %broadcast_in_dim3A_1096 = vector.broadcast %broadcast_in_dim3A_1095 : vector<1x1024xf32> to vector<64x1024xf32>
    %add3A_1097 = arith.addf %add3A_231, %add3A_204 : vector<64x1024xf32>
    %mul3A_1098 = arith.mulf %broadcast_in_dim3A_53, %broadcast_in_dim3A_1096 : vector<64x1024xf32>
    %add3A_1099 = arith.addf %add3A_1097, %mul3A_1098 : vector<64x1024xf32>
    %swap3A_1100 = arith.constant 54 : index
    %swap3A_1101 = arith.constant 0 : index
    %swap3A_1102 = arith.constant 0 : index
    %swap3A_1103 = vector.load %arg10[%swap3A_1100, %swap3A_1101, %swap3A_1102] : memref<56x64x1024xf32, #tpu.memory_space<vmem>>, vector<1x64x1024xf32>
    %swap3A_1104 = vector.shape_cast %swap3A_1103 : vector<1x64x1024xf32> to vector<64x1024xf32>
    %swap3A_1105 = vector.shape_cast %add3A_1099 : vector<64x1024xf32> to vector<1x64x1024xf32>
    tpu.vector_store %arg10[%swap3A_1100, %swap3A_1101, %swap3A_1102], %swap3A_1105 {strides = array<i32>} : memref<56x64x1024xf32, #tpu.memory_space<vmem>>, vector<1x64x1024xf32>,
    %slice3A_1106 = vector.extract_strided_slice %div3A_1033 {offsets = [6, 0], sizes = [1, 1024], strides = [1, 1]} : vector<8x1024xf32> to vector<1x1024xf32>
    %broadcast_in_dim3A_1107 = vector.shape_cast %slice3A_1106 : vector<1x1024xf32> to vector<1x1024xf32>
    %broadcast_in_dim3A_1108 = vector.broadcast %broadcast_in_dim3A_1107 : vector<1x1024xf32> to vector<64x1024xf32>
    %add3A_1109 = arith.addf %add3A_231, %add3A_219 : vector<64x1024xf32>
    %mul3A_1110 = arith.mulf %broadcast_in_dim3A_53, %broadcast_in_dim3A_1108 : vector<64x1024xf32>
    %add3A_1111 = arith.addf %add3A_1109, %mul3A_1110 : vector<64x1024xf32>
    %swap3A_1112 = arith.constant 55 : index
    %swap3A_1113 = arith.constant 0 : index
    %swap3A_1114 = arith.constant 0 : index
    %swap3A_1115 = vector.load %arg10[%swap3A_1112, %swap3A_1113, %swap3A_1114] : memref<56x64x1024xf32, #tpu.memory_space<vmem>>, vector<1x64x1024xf32>
    %swap3A_1116 = vector.shape_cast %swap3A_1115 : vector<1x64x1024xf32> to vector<64x1024xf32>
    %swap3A_1117 = vector.shape_cast %add3A_1111 : vector<64x1024xf32> to vector<1x64x1024xf32>
    tpu.vector_store %arg10[%swap3A_1112, %swap3A_1113, %swap3A_1114], %swap3A_1117 {strides = array<i32>} : memref<56x64x1024xf32, #tpu.memory_space<vmem>>, vector<1x64x1024xf32>,
    return
  }
  func.func @transform_0(%arg0: i32) -> (i32, i32, i32) {
    %c0_i32 = arith.constant 0 : i32
    %c0_i32_0 = arith.constant 0 : i32
    %c0_i32_1 = arith.constant 0 : i32
    return %c0_i32, %arg0, %c0_i32_0 : i32, i32, i32
  }
  func.func @transform_1(%arg0: i32) -> (i32, i32, i32) {
    %c0_i32 = arith.constant 0 : i32
    %c0_i32_0 = arith.constant 0 : i32
    %c0_i32_1 = arith.constant 0 : i32
    return %c0_i32, %arg0, %c0_i32_0 : i32, i32, i32
  }
  func.func @transform_2(%arg0: i32) -> (i32, i32, i32) {
    %c0_i32 = arith.constant 0 : i32
    %c0_i32_0 = arith.constant 0 : i32
    %c0_i32_1 = arith.constant 0 : i32
    return %c0_i32, %arg0, %c0_i32_0 : i32, i32, i32
  }
  func.func @transform_3(%arg0: i32) -> (i32, i32) {
    %c0_i32 = arith.constant 0 : i32
    %c0_i32_0 = arith.constant 0 : i32
    return %c0_i32, %arg0 : i32, i32
  }
  func.func @transform_4(%arg0: i32) -> (i32, i32, i32) {
    %c0_i32 = arith.constant 0 : i32
    %c0_i32_0 = arith.constant 0 : i32
    %c0_i32_1 = arith.constant 0 : i32
    return %c0_i32, %arg0, %c0_i32_0 : i32, i32, i32
  }
  func.func @transform_5(%arg0: i32) -> (i32, i32) {
    %c0_i32 = arith.constant 0 : i32
    %c0_i32_0 = arith.constant 0 : i32
    return %arg0, %c0_i32 : i32, i32
  }
  func.func @transform_6(%arg0: i32) -> (i32, i32) {
    %c0_i32 = arith.constant 0 : i32
    %c0_i32_0 = arith.constant 0 : i32
    %c0_i32_1 = arith.constant 0 : i32
    return %c0_i32, %c0_i32_0 : i32, i32
  }
  func.func @transform_7(%arg0: i32) -> (i32, i32) {
    %c0_i32 = arith.constant 0 : i32
    %c0_i32_0 = arith.constant 0 : i32
    %c0_i32_1 = arith.constant 0 : i32
    return %c0_i32, %c0_i32_0 : i32, i32
  }
  func.func @transform_8(%arg0: i32) -> (i32, i32) {
    %c0_i32 = arith.constant 0 : i32
    %c0_i32_0 = arith.constant 0 : i32
    %c0_i32_1 = arith.constant 0 : i32
    return %c0_i32, %c0_i32_0 : i32, i32
  }
  func.func @transform_9(%arg0: i32) -> (i32, i32, i32) {
    %c0_i32 = arith.constant 0 : i32
    %c0_i32_0 = arith.constant 0 : i32
    %c0_i32_1 = arith.constant 0 : i32
    return %c0_i32, %c0_i32_0, %arg0 : i32, i32, i32
  }
}

</mosaic_0001>

<sc_bundles>
// kernel: kernel.4.cloned.1.call-start
scs
__scs_entry_jumppad:
0x0: {  	(pc) =	sbr.rel $0x88, $3  }
0x1: {  	(tag) =	ssettag $0x0;
	lr =	simm.s32 $0x1  }
0x2: {  	[smem:$0x3F99] =	sst lr;
	_ =	strace $0xD0000000  }
0x3: {  	_ = 	snop  }
0x4: {  	_ = 	snop  }
0x5: {  	_ = 	snop  }
0x6: {  	_ = 	snop  }
0x7: {  	_ = 	snop  }
__scs_overlays_trampoline_lowered:
0x8: {  	[smem:$0x3FA8] =	sst s0  }
0x9: {  	[smem:$0x3FA9] =	sst s1  }
0xa: {  	[smem:$0x3FAA] =	sst s2  }
0xb: {  	[smem:$0x3FAB] =	sst s3  }
0xc: {  	[smem:$0x3FAC] =	sst s4  }
0xd: {  	[smem:$0x3FAD] =	sst s5  }
0xe: {  	[smem:$0x3FAE] =	sst s6  }
0xf: {  	[smem:$0x3FAF] =	sst s7  }
0x10: {  	[smem:$0x3FB0] =	sst s8  }
0x11: {  	[smem:$0x3FB1] =	sst s9;
	s0 =	simm.s32 @!p0 $0x0  }
0x12: {  	s1 =	sld [smem:$0x3F97];
	s0 =	simm.s32 @p0 $0x1  }
0x13: {  	[smem:$0x3FB2] =	sst s0;
	s0 =	simm.s32 @!p1 $0x0  }
0x14: {  	s2 =	sld [smem:$0x3F96];
	s0 =	simm.s32 @p1 $0x1  }
0x15: {  	[smem:$0x3FB3] =	sst s0;
	s0 =	simm.s32 @!p2 $0x0  }
0x16: {  	s3 =	sld [smem:$0x3FDB];
	s0 =	simm.s32 @p2 $0x1  }
0x17: {  	s4 =	simm.s32 $0x1BF5;
	[smem:$0x3FB5] =	sst s0  }
0x18: {  	s0 =	sld [smem:$0x3F98];
	_ =	swait.ge [sflag:s4], $0x0  }
0x19: {  	s7 =	sld [smem:$0x3F99]  }
0x1a: {  	s8 =	sadd.s32 $0xFFFFE003, lr  }
0x1b: {  	s9 =	sadd.s32 $0xFFFFFEF7, lr;
	s5 =	simm.s32 $0xFFFFFFFF;
	p2 =	slt.u32 s8, $0xFFFFF086  }
0x1c: {  	p1 =	slt.u32 s9, $0xF7A;
	s5 =	simm.s32 @!p2 $0x0  }
0x1d: {  	s5 =	simm.s32 @p1 $0x1;
	p0 =	seq.s32 s7, s2  }
0x1e: {  	s7 =	smul.u32 @!p0 $0xF7A, s2;
	p2 =	seq.s32 @!p0 s5, $0x0  }
0x1f: {  	s9 =	smul.u32 $0xF7A, s1;
	s8 =	simm.s32 @!p0 $0x1BF5;
	p2 =	por !p2, p0  }
0x20: {  	[sflag:s8] =	ssyncset.s32 @!p0 $0xFFFFF086;
	s6 =	sadd.s32 @!p0 s3, s7;
	s7 =	simm.s32 @!p0 $0x108  }
0x21: {  	s3 =	sadd.s32 s3, s9;
	s6 =	sadd.s32 @!p0 $0x88, s6;
	s7 =	simm.s32 @p2 $0x1082  }
0x22: {  	[simem:s7], [sflag:s8] =	dma.local @!p0 [hbm:s6], $0xF7A  }
0x23: {  	s9 =	sor.u32 $0xD0000000, s2;
	s6 =	simm.s32 $0x108;
	_ =	swait.ge @!p0 [sflag:s8], $0x0  }
0x24: {  	s3 =	sadd.s32 $0x88, s3;
	s6 =	simm.s32 @!p1 $0x1082;
	[sflag:s4] =	ssyncset.s32 $0xFFFFF086  }
0x25: {  	[simem:s6], [sflag:s4] =	dma.local [hbm:s3], $0xF7A  }
0x26: {  	[smem:$0x3F99] =	sst s1;
	(tag) =	ssettag s2;
	_ =	strace s9  }
0x27: {  	s1 =	sld [smem:$0x3FA9]  }
0x28: {  	s2 =	sld [smem:$0x3FAA]  }
0x29: {  	s4 =	sld [smem:$0x3FAC]  }
0x2a: {  	p0 =	seq.s32 s5, $0x0;
	s5 =	sld [smem:$0x3FAD]  }
0x2b: {  	s6 =	sld [smem:$0x3FAE]  }
0x2c: {  	s7 =	sld [smem:$0x3FAF]  }
0x2d: {  	s3 =	simm.s32 $0x108;
	s8 =	sld [smem:$0x3FB0]  }
0x2e: {  	s3 =	simm.s32 @!p0 $0x1082;
	s9 =	sld [smem:$0x3FB1]  }
0x2f: {  	lr =	sadd.s32 s0, s3;
	s0 =	sld [smem:$0x3FA8]  }
0x30: {  	s3 =	sld [smem:$0x3FAB]  }
0x31: {  	[smem:$0x3FB4] =	sst s10  }
0x32: {  	s10 =	sld [smem:$0x3FB2];
	_ =	sdelay $0x3  }
0x33: {  	p0 =	seq.s32 s10, $0x1;
	s10 =	sld [smem:$0x3FB4];
	_ =	sdelay $0x3  }
0x34: {  	[smem:$0x3FB4] =	sst s10  }
0x35: {  	s10 =	sld [smem:$0x3FB3];
	_ =	sdelay $0x3  }
0x36: {  	p1 =	seq.s32 s10, $0x1;
	s10 =	sld [smem:$0x3FB4];
	_ =	sdelay $0x3  }
0x37: {  	[smem:$0x3FB4] =	sst s10  }
0x38: {  	s10 =	sld [smem:$0x3FB5]  }
0x39: {  	_ = 	snop;
	(pc) =	sbr.ind lr, $3  }
0x3a: {  	_ = 	snop  }
0x3b: {  	_ = 	snop  }
0x3c: {  	p2 =	seq.s32 s10, $0x1;
	s10 =	sld [smem:$0x3FB4]  }
0x3d: {  	_ =	shalt  }
0x3e: {  	_ =	shalt  }
0x3f: {  	_ =	shalt  }
0x40: {  	_ =	shalt  }
0x41: {  	_ =	shalt  }
0x42: {  	_ =	shalt  }
0x43: {  	_ =	shalt  }
0x44: {  	_ =	shalt  }
0x45: {  	_ =	shalt  }
0x46: {  	_ =	shalt  }
0x47: {  	_ =	shalt  }
0x48: {  	_ =	shalt  }
0x49: {  	_ =	shalt  }
0x4a: {  	_ =	shalt  }
0x4b: {  	_ =	shalt  }
0x4c: {  	_ =	shalt  }
0x4d: {  	_ =	shalt  }
0x4e: {  	_ =	shalt  }
0x4f: {  	_ =	shalt  }
0x50: {  	_ =	shalt  }
0x51: {  	_ =	shalt  }
0x52: {  	_ =	shalt  }
0x53: {  	_ =	shalt  }
0x54: {  	_ =	shalt  }
0x55: {  	_ =	shalt  }
0x56: {  	_ =	shalt  }
0x57: {  	_ =	shalt  }
0x58: {  	_ =	shalt  }
0x59: {  	_ =	shalt  }
0x5a: {  	_ =	shalt  }
0x5b: {  	_ =	shalt  }
0x5c: {  	_ =	shalt  }
0x5d: {  	_ =	shalt  }
0x5e: {  	_ =	shalt  }
0x5f: {  	_ =	shalt  }
0x60: {  	_ =	shalt  }
0x61: {  	_ =	shalt  }
0x62: {  	_ =	shalt  }
0x63: {  	_ =	shalt  }
0x64: {  	_ =	shalt  }
0x65: {  	_ =	shalt  }
0x66: {  	_ =	shalt  }
0x67: {  	_ =	shalt  }
0x68: {  	_ =	shalt  }
0x69: {  	_ =	shalt  }
0x6a: {  	_ =	shalt  }
0x6b: {  	_ =	shalt  }
0x6c: {  	_ =	shalt  }
0x6d: {  	_ =	shalt  }
0x6e: {  	_ =	shalt  }
0x6f: {  	_ =	shalt  }
0x70: {  	_ =	shalt  }
0x71: {  	_ =	shalt  }
0x72: {  	_ =	shalt  }
0x73: {  	_ =	shalt  }
0x74: {  	_ =	shalt  }
0x75: {  	_ =	shalt  }
0x76: {  	_ =	shalt  }
0x77: {  	_ =	shalt  }
0x78: {  	_ =	shalt  }
0x79: {  	_ =	shalt  }
0x7a: {  	_ =	shalt  }
0x7b: {  	_ =	shalt  }
0x7c: {  	_ =	shalt  }
0x7d: {  	_ =	shalt  }
0x7e: {  	_ =	shalt  }
0x7f: {  	_ =	shalt  }
0x80: {  	_ =	shalt  }
0x81: {  	_ =	shalt  }
0x82: {  	_ =	shalt  }
0x83: {  	_ =	shalt  }
0x84: {  	_ =	shalt  }
0x85: {  	_ =	shalt  }
0x86: {  	_ =	shalt  }
0x87: {  	_ =	shalt  }
.Lfunc_end0:
.L_simem_size_0:
called_computation_lowered:
.L_overlay_start_0:
0x88: {  	s2 =	sld [smem:$0x3FD9]  }
0x89: {  	s3 =	sld [smem:$0x3FFE];
	_ =	sdelay $0x1  }
0x8a: {  	s1 =	srdreg.scid  }
0x8b: {  	s0 =	sand.u32 $0x1, s1  }
0x8c: {  	s17 =	sshll.u32 s0, $0xA;
	s2 =	sadd.s32 s3, s2  }
0x8d: {  	s2 =	sadd.s32 s2, s17  }
0x8e: {  	[smem:$0x3FC0] =	sst s2  }
0x8f: {  	_ = 	snop  }
0x90: {  	s2 =	sld [smem:$0x3FC8]  }
0x91: {  	s18 =	sld [smem:$0x3FC7]  }
0x92: {  	s4 =	sld [smem:$0x3FD0];
	(tm) =	ssettm $0x1  }
0x93: {  	s5 =	sld [smem:$0x3FFB];
	_ =	sdelay $0x3  }
0x94: {  	_ =	strace s5  }
0x95: {  	s5 =	sld [smem:$0x3FFC];
	_ =	sdelay $0x3  }
0x96: {  	_ =	strace s5  }
0x97: {  	s5 =	sld [smem:$0x3FFD];
	_ =	sdelay $0x3  }
0x98: {  	_ =	strace s5  }
0x99: {  	_ =	strace $0x8FFFFFFF  }
0x9a: {  	s19 =	sld [smem:$0x3FDB];
	_ =	sdelay $0x1  }
0x9b: {  	s6 =	simm.s32 $_scs_section_size  }
0x9c: {  	s7 =	simm.s32 $_size__tile_overlayer_lowered;
	s8 =	simm.s32 $_tile_overlayer_lowered  }
0x9d: {  	s22 =	simm.s32 $0x1BFF;
	s21 =	sshll.u32 s8, $0x1;
	s5 =	sadd.s32 s6, s19  }
0x9e: {  	s9 =	simm.s32 $0x0;
	s20 =	sshll.u32 s7, $0x1;
	s7 =	sadd.s32 s21, s5  }
0x9f: {  	[timem:s9], [sflag:s22] =	dma.local [hbm:s7], s20  }
0xa0: {  	_ =	swait.ge [sflag:s22], s20  }
0xa1: {  	s6 =	ssub.s32 $0x0, s20;
	[sflag:s22] =	ssyncset.done $0x0  }
0xa2: {  	[sflag:s22] =	ssyncadd.s32 s6;
	_ =	sdelay $0x1  }
0xa3: {  	s23 =	simm.s32 $0x1B8B  }
0xa4: {  	_ =	swait.ge [sflag:s23], $0x1  }
0xa5: {  	[sflag:s23] =	ssyncset.done $0x0  }
0xa6: {  	s25 =	simm.s32 $0x1B8E;
	s24 =	sld [smem:$0x3FFE];
	[sflag:s23] =	ssyncadd.s32 $0xFFFFFFFF  }
0xa7: {  	s26 =	simm.s32 $execute0_lowered;
	[smem:$0x3FD2] =	sst s25  }
0xa8: {  	s7 =	sshll.u32 s26, $0x1;
	_ =	strace $0x80000046;
	[dreg:$0x1] =	wrdreg $0xFFFFFFFF  }
0xa9: {  	s28 =	simm.s32 $_size_execute0_lowered;
	s5 =	sadd.s32 s5, s7;
	[dreg:$0x0] =	wrdreg $0x0  }
0xaa: {  	s7 =	sshll.u32 s28, $0x1;
	[dreg:$0x2] =	wrdreg s5  }
0xab: {  	[dreg:$0x3] =	wrdreg s7  }
0xac: {  	[dreg:$0x4] =	wrdreg $0xC0  }
0xad: {  	_ =	task [dreg:s9], $0x5FFFF  }
0xae: {  	[dreg:$0x1] =	wrdreg $0xFFFFFFFF  }
0xaf: {  	[dreg:$0x0] =	wrdreg $0x60  }
0xb0: {  	[dreg:$0x2] =	wrdreg s24  }
0xb1: {  	[dreg:$0x3] =	wrdreg s4  }
0xb2: {  	[dreg:$0x4] =	wrdreg s2  }
0xb3: {  	[dreg:$0x5] =	wrdreg s18  }
0xb4: {  	[dreg:$0x6] =	wrdreg $0x9  }
0xb5: {  	_ =	task.clear_ibuf [dreg:s9], $0x7FFFF;
	_ =	strace $0x90000046  }
0xb6: {  	s29 =	simm.s32 $0x9;
	_ =	strace $0x80000048  }
0xb7: {  	_ =	swait.ge [sflag:s29], $0x1  }
0xb8: {  	[sflag:s29] =	ssyncadd.s32 $0xFFFFFFFF  }
0xb9: {  	_ =	strace $0x90000048  }
0xba: {  	_ =	sfence  }
0xbb: {  	s30 =	sld [smem:$0x0];
	_ =	sdelay $0x2  }
0xbc: {  	s31 =	sshll.u32 s1, $0xD;
	s1 =	sshrl.u32 s1, $0x2  }
0xbd: {  	s3 =	sand.u32 $0x4000, s31;
	s1 =	sadd.s32 s1, s30  }
0xbe: {  	s0 =	sor.u32 s3, s0;
	s1 =	sshll.u32 s1, $0x11  }
0xbf: {  	s0 =	sor.u32 s1, s0  }
0xc0: {  	s0 =	sadd.s32 $0x8F2B, s0  }
0xc1: {  	[sflag:s0] =	ssyncadd.remote.s32 $0x1  }
0xc2: {  	_ =	sfence.sel $0xFFFF  }
0xc3: {  	[dreg:$0x0] =	wrdreg $0xFFFFFFFF;
	(pc) =	sbr.abs _section_cstart, $3  }
0xc4: {  	[dreg:$0x1] =	wrdreg $0xFFFFFFFF  }
0xc5: {  	_ =	task.clear_ibuf [dreg:s9], $0x2FFFF;
	_ =	strace $0x9FFFFFFF  }
0xc6: {  	(tm) =	ssettm $0x7FFFFFFF  }
0xc7: {  	_ =	shalt  }
tec
execute0_lowered:
.L_overlay_start_1:
0x0: {  	(tag) =	ssettag $0x1  }
0x1: {  	s22 =	rddreg [dreg:$0x0]  }
0x2: {  	s2 =	srdreg.scid;
	s0 =	stileid.u32  }
0x3: {  	s1 =	rddreg [dreg:$0x1];
	s24 =	sand.u32 $0x1, s2;
	s31 =	sshll.u32 s0, $0x1  }
0x4: {  	s3 =	rddreg [dreg:$0x2];
	s8 =	sor.u32 s24, s31  }
0x5: {  	s7 =	rddreg [dreg:$0x3];
	s4 =	simm.s32 $0x0;
	s5 =	sshll.u32 s8, $0x8  }
0x6: {  	s6 =	simm.s32 $0x3;
	[smem:$0x7FF] =	sst s4;
	s21 =	sadd.s32 s5, s22  }
0x7: {  	s2 =	rddreg [dreg:$0x4];
	_ =	strace $0x80000047;
	s5 =	sadd.s32 $0xC00, s21  }
0x8: {  	[tilespmem:s4], [sflag:$0x3] =	stream.linear.gather [hbm4b:s5+s4], $0x800, $0x38;
	[tilespmem:$0x2A00] =	vst v63  }
0x9: {  	_ =	swait.ge [sflag:s6], $0x800  }
0xa: {  	s23 =	sshll.u32 s8, $0x5;
	[sflag:s6] =	ssyncset.done $0x0  }
0xb: {  	s8 =	simm.s32 $0x2800;
	s7 =	sadd.s32 s7, s23;
	[sflag:s6] =	ssyncadd.s32 $0xFFFFF800  }
0xc: {  	[tilespmem:s8], [sflag:$0x3] =	stream.linear.gather [hbm4b:s7+s4], $0x100, $0x38;
	[tilespmem:$0x2A00] =	vst v63  }
0xd: {  	_ =	swait.ge [sflag:s6], $0x100  }
0xe: {  	[sflag:s6] =	ssyncset.done $0x0  }
0xf: {  	s10 =	simm.s32 $0x800;
	s9 =	sadd.s32 $0x5E00, s22;
	[sflag:s6] =	ssyncadd.s32 $0xFFFFFF00  }
0x10: {  	[tilespmem:s10], [sflag:$0x1] =	stream.indirect.gather [hbm4b:s9+s10], $0x1, s4, s10, $0xb8;
	[tilespmem:$0x2A00] =	vst v63  }
0x11: {  	s12 =	simm.s32 $0x1000;
	s11 =	sadd.s32 $0x2C00, s22  }
0x12: {  	[tilespmem:s12], [sflag:$0x1] =	stream.indirect.gather [hbm4b:s11+s10], $0x1, s4, s10, $0xb8;
	[tilespmem:$0x2A00] =	vst v63  }
0x13: {  	s13 =	simm.s32 $0x1800  }
0x14: {  	[tilespmem:s13], [sflag:$0x1] =	stream.indirect.gather [hbm4b:s1+s10], $0x1, s4, s10, $0xb8;
	[tilespmem:$0x2A00] =	vst v63  }
0x15: {  	s14 =	simm.s32 $0x2000  }
0x16: {  	[tilespmem:s14], [sflag:$0x1] =	stream.indirect.gather [hbm4b:s3+s10], $0x1, s4, s10, $0xb8;
	[tilespmem:$0x2A00] =	vst v63  }
0x17: {  	s15 =	simm.s32 $0x100;
	s16 =	simm.s32 $0x2900;
	s17 =	simm.s32 $0x1  }
0x18: {  	[tilespmem:s16], [sflag:$0x1] =	stream.indirect.gather [hbm4b:s3+s15], $0x1, s8, s15, $0xb8;
	[tilespmem:$0x2A00] =	vst v63  }
0x19: {  	_ =	swait.ge [sflag:s17], $0x800  }
0x1a: {  	[sflag:s17] =	ssyncset.done $0x0  }
0x1b: {  	s18 =	sadd.s32 $0x9000, s21;
	[sflag:s17] =	ssyncadd.s32 $0xFFFFF800  }
0x1c: {  	[hbm4b:s18+s4] =	stream.linear.scatter [tilespmem:s10], [sflag:$0x2], $0x800, $0x38;
	[tilespmem:$0x2A00] =	vst v63  }
0x1d: {  	_ =	swait.ge [sflag:s17], $0x800  }
0x1e: {  	[sflag:s17] =	ssyncset.done $0x0  }
0x1f: {  	s19 =	sadd.s32 $0xB000, s21;
	[sflag:s17] =	ssyncadd.s32 $0xFFFFF800  }
0x20: {  	[hbm4b:s19+s4] =	stream.linear.scatter [tilespmem:s12], [sflag:$0x2], $0x800, $0x38;
	[tilespmem:$0x2A00] =	vst v63  }
0x21: {  	_ =	swait.ge [sflag:s17], $0x800  }
0x22: {  	[sflag:s17] =	ssyncset.done $0x0  }
0x23: {  	s20 =	sadd.s32 $0xD000, s21;
	[sflag:s17] =	ssyncadd.s32 $0xFFFFF800  }
0x24: {  	[hbm4b:s20+s4] =	stream.linear.scatter [tilespmem:s13], [sflag:$0x2], $0x800, $0x38;
	[tilespmem:$0x2A00] =	vst v63  }
0x25: {  	_ =	swait.ge [sflag:s17], $0x800  }
0x26: {  	[sflag:s17] =	ssyncset.done $0x0  }
0x27: {  	s21 =	sadd.s32 $0xF000, s21;
	[sflag:s17] =	ssyncadd.s32 $0xFFFFF800  }
0x28: {  	[hbm4b:s21+s4] =	stream.linear.scatter [tilespmem:s14], [sflag:$0x2], $0x800, $0x38;
	[tilespmem:$0x2A00] =	vst v63  }
0x29: {  	_ =	swait.ge [sflag:s17], $0x100  }
0x2a: {  	s22 =	sadd.s32 s23, s22;
	[sflag:s17] =	ssyncset.done $0x0  }
0x2b: {  	s23 =	sadd.s32 $0x11000, s22;
	s22 =	simm.s32 $0x2;
	[sflag:s17] =	ssyncadd.s32 $0xFFFFFF00  }
0x2c: {  	[hbm4b:s23+s4] =	stream.linear.scatter [tilespmem:s16], [sflag:$0x2], $0x100, $0x38;
	[tilespmem:$0x2A00] =	vst v63  }
0x2d: {  	_ =	swait.ge [sflag:s22], $0x800  }
0x2e: {  	[sflag:s22] =	ssyncset.done $0x0  }
0x2f: {  	[sflag:s22] =	ssyncadd.s32 $0xFFFFF800  }
0x30: {  	_ =	swait.ge [sflag:s22], $0x800  }
0x31: {  	s24 =	ssub.s32 $0x2, s24;
	[sflag:s22] =	ssyncset.done $0x0  }
0x32: {  	s25 =	sshrl.u32 s24, $0x1;
	[sflag:s22] =	ssyncadd.s32 $0xFFFFF800  }
0x33: {  	s24 =	ssub.s32 s24, s25;
	_ =	swait.ge [sflag:s22], $0x800  }
0x34: {  	s24 =	smax.u32 s24, $0x1;
	[sflag:s22] =	ssyncset.done $0x0  }
0x35: {  	p0 =	sne.s32 s24, $0x1;
	[sflag:s22] =	ssyncadd.s32 $0xFFFFF800  }
.Ltmp0:
0x36: {  	_ =	swait.ge [sflag:s22], $0x800;
	(pc) =	sbr.rel @!p0 .LBB2_2-.Ltmp0, $4  }
0x37: {  	[sflag:s22] =	ssyncset.done $0x0  }
0x38: {  	[sflag:s22] =	ssyncadd.s32 $0xFFFFF800  }
0x39: {  	_ =	swait.ge [sflag:s22], $0x100  }
0x3a: {  	s24 =	sadd.s32 $0xFFFFFFFF, s24;
	[sflag:s22] =	ssyncset.done $0x0  }
.LBB2_1:
0x3b: {  	p0 =	sne.s32 s24, $0x1;
	s24 =	sadd.s32 $0xFFFFFFFF, s24;
	[sflag:s22] =	ssyncadd.s32 $0xFFFFFF00  }
0x3c: {  	[tilespmem:s4], [sflag:$0x3] =	stream.linear.gather [hbm4b:s5+s4], $0x800, $0x38;
	[tilespmem:$0x2A00] =	vst v63  }
0x3d: {  	_ =	swait.ge [sflag:s6], $0x800  }
0x3e: {  	[sflag:s6] =	ssyncset.done $0x0  }
0x3f: {  	[sflag:s6] =	ssyncadd.s32 $0xFFFFF800  }
0x40: {  	[tilespmem:s8], [sflag:$0x3] =	stream.linear.gather [hbm4b:s7+s4], $0x100, $0x38;
	[tilespmem:$0x2A00] =	vst v63  }
0x41: {  	_ =	swait.ge [sflag:s6], $0x100  }
0x42: {  	[sflag:s6] =	ssyncset.done $0x0  }
0x43: {  	[sflag:s6] =	ssyncadd.s32 $0xFFFFFF00  }
0x44: {  	[tilespmem:s10], [sflag:$0x1] =	stream.indirect.gather [hbm4b:s9+s10], $0x1, s4, s10, $0xb8;
	[tilespmem:$0x2A00] =	vst v63  }
0x45: {  	_ = 	snop  }
0x46: {  	[tilespmem:s12], [sflag:$0x1] =	stream.indirect.gather [hbm4b:s11+s10], $0x1, s4, s10, $0xb8;
	[tilespmem:$0x2A00] =	vst v63  }
0x47: {  	_ = 	snop  }
0x48: {  	[tilespmem:s13], [sflag:$0x1] =	stream.indirect.gather [hbm4b:s1+s10], $0x1, s4, s10, $0xb8;
	[tilespmem:$0x2A00] =	vst v63  }
0x49: {  	_ = 	snop  }
0x4a: {  	[tilespmem:s14], [sflag:$0x1] =	stream.indirect.gather [hbm4b:s3+s10], $0x1, s4, s10, $0xb8;
	[tilespmem:$0x2A00] =	vst v63  }
0x4b: {  	_ = 	snop  }
0x4c: {  	[tilespmem:s16], [sflag:$0x1] =	stream.indirect.gather [hbm4b:s3+s15], $0x1, s8, s15, $0xb8;
	[tilespmem:$0x2A00] =	vst v63  }
0x4d: {  	_ =	swait.ge [sflag:s17], $0x800  }
0x4e: {  	[sflag:s17] =	ssyncset.done $0x0  }
0x4f: {  	[sflag:s17] =	ssyncadd.s32 $0xFFFFF800  }
0x50: {  	[hbm4b:s18+s4] =	stream.linear.scatter [tilespmem:s10], [sflag:$0x2], $0x800, $0x38;
	[tilespmem:$0x2A00] =	vst v63  }
0x51: {  	_ =	swait.ge [sflag:s17], $0x800  }
0x52: {  	[sflag:s17] =	ssyncset.done $0x0  }
0x53: {  	[sflag:s17] =	ssyncadd.s32 $0xFFFFF800  }
0x54: {  	[hbm4b:s19+s4] =	stream.linear.scatter [tilespmem:s12], [sflag:$0x2], $0x800, $0x38;
	[tilespmem:$0x2A00] =	vst v63  }
0x55: {  	_ =	swait.ge [sflag:s17], $0x800  }
0x56: {  	[sflag:s17] =	ssyncset.done $0x0  }
0x57: {  	[sflag:s17] =	ssyncadd.s32 $0xFFFFF800  }
0x58: {  	[hbm4b:s20+s4] =	stream.linear.scatter [tilespmem:s13], [sflag:$0x2], $0x800, $0x38;
	[tilespmem:$0x2A00] =	vst v63  }
0x59: {  	_ =	swait.ge [sflag:s17], $0x800  }
0x5a: {  	[sflag:s17] =	ssyncset.done $0x0  }
0x5b: {  	[sflag:s17] =	ssyncadd.s32 $0xFFFFF800  }
0x5c: {  	[hbm4b:s21+s4] =	stream.linear.scatter [tilespmem:s14], [sflag:$0x2], $0x800, $0x38;
	[tilespmem:$0x2A00] =	vst v63  }
0x5d: {  	_ =	swait.ge [sflag:s17], $0x100  }
0x5e: {  	[sflag:s17] =	ssyncset.done $0x0  }
0x5f: {  	[sflag:s17] =	ssyncadd.s32 $0xFFFFFF00  }
0x60: {  	[hbm4b:s23+s4] =	stream.linear.scatter [tilespmem:s16], [sflag:$0x2], $0x100, $0x38;
	[tilespmem:$0x2A00] =	vst v63  }
0x61: {  	_ =	swait.ge [sflag:s22], $0x800  }
0x62: {  	[sflag:s22] =	ssyncset.done $0x0  }
0x63: {  	[sflag:s22] =	ssyncadd.s32 $0xFFFFF800  }
0x64: {  	_ =	swait.ge [sflag:s22], $0x800  }
0x65: {  	[sflag:s22] =	ssyncset.done $0x0  }
0x66: {  	[sflag:s22] =	ssyncadd.s32 $0xFFFFF800  }
0x67: {  	_ =	swait.ge [sflag:s22], $0x800  }
0x68: {  	[sflag:s22] =	ssyncset.done $0x0  }
0x69: {  	[sflag:s22] =	ssyncadd.s32 $0xFFFFF800  }
.Ltmp1:
0x6a: {  	_ =	swait.ge [sflag:s22], $0x800;
	(pc) =	sbr.rel @p0 .LBB2_1-.Ltmp1, $4  }
0x6b: {  	[sflag:s22] =	ssyncset.done $0x0  }
0x6c: {  	[sflag:s22] =	ssyncadd.s32 $0xFFFFF800  }
0x6d: {  	_ =	swait.ge [sflag:s22], $0x100  }
0x6e: {  	[sflag:s22] =	ssyncset.done $0x0  }
.LBB2_2:
0x6f: {  	[sflag:s22] =	ssyncadd.s32 $0xFFFFFF00  }
0x70: {  	_ =	sfence.sel $0x180000  }
0x71: {  	[bflag:$0x0] =	sbarrier.arrive $0xFFFF  }
0x72: {  	p0 =	sne.s32 s0, $0x0;
	_ =	strace $0x90000047  }
0x73: {  	s0 =	sadd.s32 @!p0 $0x100000, s2;
	[bflag:$0x2] =	sbarrier.arrive $0xFFFF  }
0x74: {  	[sflag:s0] =	ssyncadd.tile.s32 @!p0 $0x1;
	_ =	shalt  }
.Lfunc_end2:
_tile_overlayer_lowered:
.L_overlay_start_2:
0x75: {  	(tag) =	ssettag $0x2  }
0x76: {  	s0 =	rddreg [dreg:$0x0];
	s2 =	stileid.u32  }
0x77: {  	s1 =	rddreg [dreg:$0x1];
	p0 =	sne.s32 s2, $0x0  }
0x78: {  	s3 =	rddreg [dreg:$0x2];
	[bflag:$0x3] =	sbarrier.arrive $0xFFFF;
	s2 =	simm.s32 @!p0 $0x1C03  }
0x79: {  	[timem:s3], [sflag:s2] =	dma.local @!p0 [hbm:s0], s1  }
0x7a: {  	s0 =	simm.s32 @!p0 $0x3  }
0x7b: {  	_ =	swait.ge @!p0 [sflag:s0], s1  }
0x7c: {  	s1 =	ssub.s32 @!p0 $0x0, s1;
	[sflag:s0] =	ssyncset.done @!p0 $0x0  }
0x7d: {  	[sflag:s0] =	ssyncadd.s32 @!p0 s1  }
0x7e: {  	[bflag:$0x3] =	sbarrier.arrive $0xFFFF  }
0x7f: {  	_ =	shalt  }

</sc_bundles>
